<compile_context>
chip_gen: v7x
topology: tpu7x:2x2x1
jax: 0.10.2.dev20260603
libtpu: 0.0.44.dev20260713+nightly
codegen_flags: <defaults>
</compile_context>

<pallas_src>
import functools

import jax
import jax.numpy as jnp
from jax import lax
from jax.experimental import pallas as pl
from jax.experimental.pallas import tpu as pltpu
from jax.experimental.pallas import tpu_sc as plsc

_B, _N, _M = 16, 2048, 64
_SC_L = 16


def _tc_body(dist_ref, pt_ref, coef_ref, out_ref, epa_ref):
    d = dist_ref[0]
    pt = pt_ref[0]
    is1 = pt == 1
    is2 = pt == 2

    def sel(i):
        return jnp.where(is1, coef_ref[i, 1],
                         jnp.where(is2, coef_ref[i, 2], coef_ref[i, 0]))

    x = jnp.clip(sel(5) * d - sel(4), 0.0, 1.0)
    x3 = x * x * x
    fc = 1.0 - x3 * (x * (6.0 * x - 15.0) + 10.0)

    half_phi = jnp.exp2(sel(0) - sel(1) * d) * fc
    rho_e = jnp.exp2(sel(2) - sel(3) * d) * fc

    half_phi_sum = jnp.sum(half_phi)
    s = jnp.sum(rho_e, axis=0, keepdims=True) + 1e-12
    emb_sum = jnp.sum(s * jax.lax.rsqrt(s))

    e = half_phi_sum - emb_sum
    out_ref[0] = jnp.full((1, 128), e, jnp.float32)
    epa_ref[0] = jnp.full((1, 128), e * (1.0 / _N), jnp.float32)


def _sc_type_counts(types):
    info = plsc.get_sparse_core_info()
    nc = info.num_cores

    mesh = plsc.VectorSubcoreMesh(core_axis_name="c", subcore_axis_name="s")

    @functools.partial(
        pl.kernel, mesh=mesh,
        out_type=jax.ShapeDtypeStruct((_B, _SC_L), jnp.int32),
        scratch_types=[
            pltpu.VMEM((_N,), jnp.int32),
            pltpu.VMEM((_SC_L,), jnp.int32),
        ],
    )
    def counts_kernel(types_hbm, out_hbm, row_v, acc_v):
        wid = lax.axis_index("s") * nc + lax.axis_index("c")

        @pl.when(wid < _B)
        def _():
            pltpu.sync_copy(types_hbm.at[wid], row_v)
            acc = jnp.zeros((_SC_L,), jnp.int32)
            for i in range(_N // _SC_L):
                acc += row_v[pl.ds(i * _SC_L, _SC_L)]
            acc_v[...] = acc
            pltpu.sync_copy(acc_v, out_hbm.at[wid])

    return counts_kernel(types)


def kernel(types, pair_types, distances, A, xi, p, q, r0, offset, cut_a, cut_b):
    dist_t = distances.transpose(0, 2, 1)
    pt_t = pair_types.transpose(0, 2, 1)

    inv_ln2 = 1.4426950408889634
    inv_ba = 1.0 / (cut_b - cut_a)
    coef = jnp.concatenate([
        jnp.stack([
            jnp.log2(0.5 * A) + p * inv_ln2,
            (p / r0) * inv_ln2,
            2.0 * jnp.log2(xi) + 2.0 * q * inv_ln2,
            (2.0 * q / r0) * inv_ln2,
            cut_a * inv_ba,
            inv_ba,
        ]),
        jnp.pad(offset, (0, 1)).reshape(1, 3),
    ])

    count1 = _sc_type_counts(types)

    energy_raw, epa_raw = pl.pallas_call(
        _tc_body,
        compiler_params=pltpu.CompilerParams(
            dimension_semantics=("parallel",)),
        grid=(_B,),
        in_specs=[
            pl.BlockSpec((1, _M, _N), lambda b: (b, 0, 0)),
            pl.BlockSpec((1, _M, _N), lambda b: (b, 0, 0)),
            pl.BlockSpec((7, 3), lambda b: (0, 0)),
        ],
        out_specs=[
            pl.BlockSpec((1, 1, 128), lambda b: (b, 0, 0)),
            pl.BlockSpec((1, 1, 128), lambda b: (b, 0, 0)),
        ],
        out_shape=[
            jax.ShapeDtypeStruct((_B, 1, 128), jnp.float32),
            jax.ShapeDtypeStruct((_B, 1, 128), jnp.float32),
        ],
    )(dist_t, pt_t, coef)

    n1 = jnp.sum(count1, axis=1, keepdims=True).astype(jnp.float32)
    off_sum = offset[0] * (_N - n1) + offset[1] * n1
    energy = energy_raw[:, 0, :1] + off_sum
    energy_per_atom = epa_raw[:, 0, :1] + off_sum * (1.0 / _N)
    return (energy, energy_per_atom)

# --- scband reference (transcript-rebuilt; emitter-appended) ---
"""Pipeline reference for scband-eampotential-20624432955977 (READ-ONLY COPY).

The authoritative reference and input builder live on the scoring server;
editing this copy changes nothing except your own understanding.
"""

import jax, jax.numpy as jnp
import numpy as np

B, N, M = 16, 2048, 64
N_TYPES = 2        # Ni, Al
N_PAIR_TYPES = 3   # NiNi, NiAl, AlAl


def polynomial_cutoff(r, a, b):
    # smooth polynomial cutoff: 1 for r<=a, 0 for r>=b
    x = jnp.clip((r - a) / (b - a), 0.0, 1.0)
    return 1.0 - x ** 3 * (x * (6.0 * x - 15.0) + 10.0)


def setup_inputs(seed: int = 0) -> dict:
    key = jax.random.key(seed)
    k1, k2, k3 = jax.random.split(key, 3)
    types = jax.random.randint(k1, (B, N), 0, N_TYPES).astype(jnp.int32)
    pair_types = jax.random.randint(k2, (B, N, M), 0, N_PAIR_TYPES).astype(jnp.int32)
    # physical distance range ~ [1.5, 7.5) Angstrom
    distances = (jax.random.uniform(k3, (B, N, M)) * 6.0 + 1.5).astype(jnp.float32)
    # SMATB-style per-pair-type parameters (learned weights of the expert layers)
    A = jnp.array([0.0845, 0.0616, 0.0594], jnp.float32)   # pair repulsion prefactor
    xi = jnp.array([1.405, 1.20, 1.15], jnp.float32)       # hopping integral (rho)
    p = jnp.array([11.73, 14.0, 8.6], jnp.float32)         # pair decay
    q = jnp.array([1.93, 3.0, 4.7], jnp.float32)           # rho decay
    r0 = jnp.array([2.49, 2.60, 2.86], jnp.float32)        # input normalization shift/scale
    offset = jnp.array([0.01, -0.02], jnp.float32)         # per-atom-type OffsetLayer
    cut_a = jnp.array([5.0, 5.0, 5.0], jnp.float32)
    cut_b = jnp.array([7.5, 7.5, 7.5], jnp.float32)
    return {"types": types, "pair_types": pair_types, "distances": distances,
            "A": A, "xi": xi, "p": p, "q": q, "r0": r0, "offset": offset,
            "cut_a": cut_a, "cut_b": cut_b}


def reference(types, pair_types, distances, A, xi, p, q, r0, offset, cut_a, cut_b):
    # 'where' (branchless) method: every pair evaluated with parameters gathered
    # by its pair_type (expert dispatch), then reduced over neighbors.
    r0_g = r0[pair_types]
    rn = distances / r0_g - 1.0                    # InputNormalizationAndShift
    fc = polynomial_cutoff(distances, cut_a[pair_types], cut_b[pair_types])
    # pair potential expert: phi_pt(r) = A * exp(-p*(r/r0 - 1)) * fcut
    phi = A[pair_types] * jnp.exp(-p[pair_types] * rn) * fc
    # electron density expert: rho_pt(r) = xi^2 * exp(-2q*(r/r0 - 1)) * fcut
    rho_pair = (xi[pair_types] ** 2) * jnp.exp(-2.0 * q[pair_types] * rn) * fc
    rho = jnp.sum(rho_pair, axis=-1)               # sum over neighbors
    embedding = -jnp.sqrt(rho + 1e-12)             # SqrtEmbedding F(rho)
    atomic_energy = 0.5 * jnp.sum(phi, axis=-1) + embedding + offset[types]
    energy = jnp.sum(atomic_energy, axis=-1, keepdims=True)       # [B, 1]
    number_of_atoms = jnp.asarray(types.shape[-1], jnp.float32)
    energy_per_atom = energy / number_of_atoms                     # [B, 1]
    return (energy, energy_per_atom)

if __name__ == "__main__":
    import jax
    _d = setup_inputs()
    print(jax.jit(kernel)(*tuple(_d.values())))

</pallas_src>

<mosaic_0001>
#map = affine_map<(d0, d1) -> (0, 0)>
module attributes {stable_mosaic.version = 14 : i64} {
  func.func @counts_kernel(%arg0: i32, %arg1: i32, %arg2: memref<16x2048xi32, #tpu.memory_space<hbm>>, %arg3: memref<16x16xi32, #tpu.memory_space<hbm>>, %arg4: memref<2048xi32, #tpu.memory_space<vmem>>, %arg5: memref<16xi32, #tpu.memory_space<vmem>>) attributes {dimension_semantics = [#tpu.dimension_semantics<core_parallel>, #tpu.dimension_semantics<subcore_parallel>], iteration_bounds = array<i64: 2, 16>, scalar_prefetch = 0 : i64, scratch_operands = 2 : i64, tpu.core_type = #tpu.core_type<sc_vector_subcore>, window_params = [{transform_indices = #map}, {transform_indices = #map}]} {
    %mul3A = arith.constant 2 : i32
    %mul3A_0 = arith.muli %arg1, %mul3A : i32
    %add3A = arith.addi %mul3A_0, %arg0 : i32
    %lt3A = arith.constant 16 : i32
    %lt3A_1 = arith.cmpi slt, %add3A, %lt3A : i32
    %convert_element_type3A = arith.extui %lt3A_1 : i1 to i32
    %cond3A = arith.constant 0 : i32
    %cond3A_2 = arith.cmpi ne, %convert_element_type3A, %cond3A : i32
    scf.if %cond3A_2 {
      "tpu.region"() ({
        %run_scoped3A = tpu.sem_alloc : memref<!tpu.dma_semaphore, #tpu.memory_space<semaphore_mem>>
        %dma_start3A = arith.constant 0 : i32
        %dma_start3A_518 = tpu.memref_slice %arg2[%add3A, %dma_start3A] : memref<16x2048xi32, #tpu.memory_space<hbm>> -> memref<1x2048xi32, #tpu.memory_space<hbm>>
        %dma_start3A_519 = tpu.memref_squeeze %dma_start3A_518 : memref<1x2048xi32, #tpu.memory_space<hbm>> -> memref<2048xi32, #tpu.memory_space<hbm>>
        %dma_start3A_520 = arith.constant 0 : i32
        %dma_start3A_521 = tpu.memref_slice %arg2[%add3A, %dma_start3A_520] : memref<16x2048xi32, #tpu.memory_space<hbm>> -> memref<1x2048xi32, #tpu.memory_space<hbm>>
        %dma_start3A_522 = tpu.memref_squeeze %dma_start3A_521 : memref<1x2048xi32, #tpu.memory_space<hbm>> -> memref<2048xi32, #tpu.memory_space<hbm>>
        tpu.enqueue_dma source(%dma_start3A_522 : memref<2048xi32, #tpu.memory_space<hbm>>) target(%arg4 : memref<2048xi32, #tpu.memory_space<vmem>>) target_semaphore(%run_scoped3A : memref<!tpu.dma_semaphore, #tpu.memory_space<semaphore_mem>>)
        %dma_wait3A = arith.constant 0 : i32
        %dma_wait3A_523 = tpu.memref_slice %arg2[%add3A, %dma_wait3A] : memref<16x2048xi32, #tpu.memory_space<hbm>> -> memref<1x2048xi32, #tpu.memory_space<hbm>>
        %dma_wait3A_524 = tpu.memref_squeeze %dma_wait3A_523 : memref<1x2048xi32, #tpu.memory_space<hbm>> -> memref<2048xi32, #tpu.memory_space<hbm>>
        %dma_wait3A_525 = arith.constant 0 : i32
        %dma_wait3A_526 = tpu.memref_slice %arg2[%add3A, %dma_wait3A_525] : memref<16x2048xi32, #tpu.memory_space<hbm>> -> memref<1x2048xi32, #tpu.memory_space<hbm>>
        %dma_wait3A_527 = tpu.memref_squeeze %dma_wait3A_526 : memref<1x2048xi32, #tpu.memory_space<hbm>> -> memref<2048xi32, #tpu.memory_space<hbm>>
        tpu.wait_dma2 semaphore(%run_scoped3A : memref<!tpu.dma_semaphore, #tpu.memory_space<semaphore_mem>>) src(%dma_wait3A_527 : memref<2048xi32, #tpu.memory_space<hbm>>) dst(%arg4 : memref<2048xi32, #tpu.memory_space<vmem>>)
        tpu.yield
      }) : () -> ()
      %broadcast_in_dim3A = arith.constant 0 : i32
      %broadcast_in_dim3A_3 = vector.broadcast %broadcast_in_dim3A : i32 to vector<16xi32>
      %get3A = arith.constant 0 : index
      %get3A_4 = tpu.vector_load %arg4[%get3A] {strides = array<i32>} : memref<2048xi32, #tpu.memory_space<vmem>>, vector<16xi32>,
      %get3A_5 = vector.shape_cast %get3A_4 : vector<16xi32> to vector<16xi32>
      %add3A_6 = arith.addi %broadcast_in_dim3A_3, %get3A_5 : vector<16xi32>
      %get3A_7 = arith.constant 16 : index
      %get3A_8 = tpu.vector_load %arg4[%get3A_7] {strides = array<i32>} : memref<2048xi32, #tpu.memory_space<vmem>>, vector<16xi32>,
      %get3A_9 = vector.shape_cast %get3A_8 : vector<16xi32> to vector<16xi32>
      %add3A_10 = arith.addi %add3A_6, %get3A_9 : vector<16xi32>
      %get3A_11 = arith.constant 32 : index
      %get3A_12 = tpu.vector_load %arg4[%get3A_11] {strides = array<i32>} : memref<2048xi32, #tpu.memory_space<vmem>>, vector<16xi32>,
      %get3A_13 = vector.shape_cast %get3A_12 : vector<16xi32> to vector<16xi32>
      %add3A_14 = arith.addi %add3A_10, %get3A_13 : vector<16xi32>
      %get3A_15 = arith.constant 48 : index
      %get3A_16 = tpu.vector_load %arg4[%get3A_15] {strides = array<i32>} : memref<2048xi32, #tpu.memory_space<vmem>>, vector<16xi32>,
      %get3A_17 = vector.shape_cast %get3A_16 : vector<16xi32> to vector<16xi32>
      %add3A_18 = arith.addi %add3A_14, %get3A_17 : vector<16xi32>
      %get3A_19 = arith.constant 64 : index
      %get3A_20 = tpu.vector_load %arg4[%get3A_19] {strides = array<i32>} : memref<2048xi32, #tpu.memory_space<vmem>>, vector<16xi32>,
      %get3A_21 = vector.shape_cast %get3A_20 : vector<16xi32> to vector<16xi32>
      %add3A_22 = arith.addi %add3A_18, %get3A_21 : vector<16xi32>
      %get3A_23 = arith.constant 80 : index
      %get3A_24 = tpu.vector_load %arg4[%get3A_23] {strides = array<i32>} : memref<2048xi32, #tpu.memory_space<vmem>>, vector<16xi32>,
      %get3A_25 = vector.shape_cast %get3A_24 : vector<16xi32> to vector<16xi32>
      %add3A_26 = arith.addi %add3A_22, %get3A_25 : vector<16xi32>
      %get3A_27 = arith.constant 96 : index
      %get3A_28 = tpu.vector_load %arg4[%get3A_27] {strides = array<i32>} : memref<2048xi32, #tpu.memory_space<vmem>>, vector<16xi32>,
      %get3A_29 = vector.shape_cast %get3A_28 : vector<16xi32> to vector<16xi32>
      %add3A_30 = arith.addi %add3A_26, %get3A_29 : vector<16xi32>
      %get3A_31 = arith.constant 112 : index
      %get3A_32 = tpu.vector_load %arg4[%get3A_31] {strides = array<i32>} : memref<2048xi32, #tpu.memory_space<vmem>>, vector<16xi32>,
      %get3A_33 = vector.shape_cast %get3A_32 : vector<16xi32> to vector<16xi32>
      %add3A_34 = arith.addi %add3A_30, %get3A_33 : vector<16xi32>
      %get3A_35 = arith.constant 128 : index
      %get3A_36 = tpu.vector_load %arg4[%get3A_35] {strides = array<i32>} : memref<2048xi32, #tpu.memory_space<vmem>>, vector<16xi32>,
      %get3A_37 = vector.shape_cast %get3A_36 : vector<16xi32> to vector<16xi32>
      %add3A_38 = arith.addi %add3A_34, %get3A_37 : vector<16xi32>
      %get3A_39 = arith.constant 144 : index
      %get3A_40 = tpu.vector_load %arg4[%get3A_39] {strides = array<i32>} : memref<2048xi32, #tpu.memory_space<vmem>>, vector<16xi32>,
      %get3A_41 = vector.shape_cast %get3A_40 : vector<16xi32> to vector<16xi32>
      %add3A_42 = arith.addi %add3A_38, %get3A_41 : vector<16xi32>
      %get3A_43 = arith.constant 160 : index
      %get3A_44 = tpu.vector_load %arg4[%get3A_43] {strides = array<i32>} : memref<2048xi32, #tpu.memory_space<vmem>>, vector<16xi32>,
      %get3A_45 = vector.shape_cast %get3A_44 : vector<16xi32> to vector<16xi32>
      %add3A_46 = arith.addi %add3A_42, %get3A_45 : vector<16xi32>
      %get3A_47 = arith.constant 176 : index
      %get3A_48 = tpu.vector_load %arg4[%get3A_47] {strides = array<i32>} : memref<2048xi32, #tpu.memory_space<vmem>>, vector<16xi32>,
      %get3A_49 = vector.shape_cast %get3A_48 : vector<16xi32> to vector<16xi32>
      %add3A_50 = arith.addi %add3A_46, %get3A_49 : vector<16xi32>
      %get3A_51 = arith.constant 192 : index
      %get3A_52 = tpu.vector_load %arg4[%get3A_51] {strides = array<i32>} : memref<2048xi32, #tpu.memory_space<vmem>>, vector<16xi32>,
      %get3A_53 = vector.shape_cast %get3A_52 : vector<16xi32> to vector<16xi32>
      %add3A_54 = arith.addi %add3A_50, %get3A_53 : vector<16xi32>
      %get3A_55 = arith.constant 208 : index
      %get3A_56 = tpu.vector_load %arg4[%get3A_55] {strides = array<i32>} : memref<2048xi32, #tpu.memory_space<vmem>>, vector<16xi32>,
      %get3A_57 = vector.shape_cast %get3A_56 : vector<16xi32> to vector<16xi32>
      %add3A_58 = arith.addi %add3A_54, %get3A_57 : vector<16xi32>
      %get3A_59 = arith.constant 224 : index
      %get3A_60 = tpu.vector_load %arg4[%get3A_59] {strides = array<i32>} : memref<2048xi32, #tpu.memory_space<vmem>>, vector<16xi32>,
      %get3A_61 = vector.shape_cast %get3A_60 : vector<16xi32> to vector<16xi32>
      %add3A_62 = arith.addi %add3A_58, %get3A_61 : vector<16xi32>
      %get3A_63 = arith.constant 240 : index
      %get3A_64 = tpu.vector_load %arg4[%get3A_63] {strides = array<i32>} : memref<2048xi32, #tpu.memory_space<vmem>>, vector<16xi32>,
      %get3A_65 = vector.shape_cast %get3A_64 : vector<16xi32> to vector<16xi32>
      %add3A_66 = arith.addi %add3A_62, %get3A_65 : vector<16xi32>
      %get3A_67 = arith.constant 256 : index
      %get3A_68 = tpu.vector_load %arg4[%get3A_67] {strides = array<i32>} : memref<2048xi32, #tpu.memory_space<vmem>>, vector<16xi32>,
      %get3A_69 = vector.shape_cast %get3A_68 : vector<16xi32> to vector<16xi32>
      %add3A_70 = arith.addi %add3A_66, %get3A_69 : vector<16xi32>
      %get3A_71 = arith.constant 272 : index
      %get3A_72 = tpu.vector_load %arg4[%get3A_71] {strides = array<i32>} : memref<2048xi32, #tpu.memory_space<vmem>>, vector<16xi32>,
      %get3A_73 = vector.shape_cast %get3A_72 : vector<16xi32> to vector<16xi32>
      %add3A_74 = arith.addi %add3A_70, %get3A_73 : vector<16xi32>
      %get3A_75 = arith.constant 288 : index
      %get3A_76 = tpu.vector_load %arg4[%get3A_75] {strides = array<i32>} : memref<2048xi32, #tpu.memory_space<vmem>>, vector<16xi32>,
      %get3A_77 = vector.shape_cast %get3A_76 : vector<16xi32> to vector<16xi32>
      %add3A_78 = arith.addi %add3A_74, %get3A_77 : vector<16xi32>
      %get3A_79 = arith.constant 304 : index
      %get3A_80 = tpu.vector_load %arg4[%get3A_79] {strides = array<i32>} : memref<2048xi32, #tpu.memory_space<vmem>>, vector<16xi32>,
      %get3A_81 = vector.shape_cast %get3A_80 : vector<16xi32> to vector<16xi32>
      %add3A_82 = arith.addi %add3A_78, %get3A_81 : vector<16xi32>
      %get3A_83 = arith.constant 320 : index
      %get3A_84 = tpu.vector_load %arg4[%get3A_83] {strides = array<i32>} : memref<2048xi32, #tpu.memory_space<vmem>>, vector<16xi32>,
      %get3A_85 = vector.shape_cast %get3A_84 : vector<16xi32> to vector<16xi32>
      %add3A_86 = arith.addi %add3A_82, %get3A_85 : vector<16xi32>
      %get3A_87 = arith.constant 336 : index
      %get3A_88 = tpu.vector_load %arg4[%get3A_87] {strides = array<i32>} : memref<2048xi32, #tpu.memory_space<vmem>>, vector<16xi32>,
      %get3A_89 = vector.shape_cast %get3A_88 : vector<16xi32> to vector<16xi32>
      %add3A_90 = arith.addi %add3A_86, %get3A_89 : vector<16xi32>
      %get3A_91 = arith.constant 352 : index
      %get3A_92 = tpu.vector_load %arg4[%get3A_91] {strides = array<i32>} : memref<2048xi32, #tpu.memory_space<vmem>>, vector<16xi32>,
      %get3A_93 = vector.shape_cast %get3A_92 : vector<16xi32> to vector<16xi32>
      %add3A_94 = arith.addi %add3A_90, %get3A_93 : vector<16xi32>
      %get3A_95 = arith.constant 368 : index
      %get3A_96 = tpu.vector_load %arg4[%get3A_95] {strides = array<i32>} : memref<2048xi32, #tpu.memory_space<vmem>>, vector<16xi32>,
      %get3A_97 = vector.shape_cast %get3A_96 : vector<16xi32> to vector<16xi32>
      %add3A_98 = arith.addi %add3A_94, %get3A_97 : vector<16xi32>
      %get3A_99 = arith.constant 384 : index
      %get3A_100 = tpu.vector_load %arg4[%get3A_99] {strides = array<i32>} : memref<2048xi32, #tpu.memory_space<vmem>>, vector<16xi32>,
      %get3A_101 = vector.shape_cast %get3A_100 : vector<16xi32> to vector<16xi32>
      %add3A_102 = arith.addi %add3A_98, %get3A_101 : vector<16xi32>
      %get3A_103 = arith.constant 400 : index
      %get3A_104 = tpu.vector_load %arg4[%get3A_103] {strides = array<i32>} : memref<2048xi32, #tpu.memory_space<vmem>>, vector<16xi32>,
      %get3A_105 = vector.shape_cast %get3A_104 : vector<16xi32> to vector<16xi32>
      %add3A_106 = arith.addi %add3A_102, %get3A_105 : vector<16xi32>
      %get3A_107 = arith.constant 416 : index
      %get3A_108 = tpu.vector_load %arg4[%get3A_107] {strides = array<i32>} : memref<2048xi32, #tpu.memory_space<vmem>>, vector<16xi32>,
      %get3A_109 = vector.shape_cast %get3A_108 : vector<16xi32> to vector<16xi32>
      %add3A_110 = arith.addi %add3A_106, %get3A_109 : vector<16xi32>
      %get3A_111 = arith.constant 432 : index
      %get3A_112 = tpu.vector_load %arg4[%get3A_111] {strides = array<i32>} : memref<2048xi32, #tpu.memory_space<vmem>>, vector<16xi32>,
      %get3A_113 = vector.shape_cast %get3A_112 : vector<16xi32> to vector<16xi32>
      %add3A_114 = arith.addi %add3A_110, %get3A_113 : vector<16xi32>
      %get3A_115 = arith.constant 448 : index
      %get3A_116 = tpu.vector_load %arg4[%get3A_115] {strides = array<i32>} : memref<2048xi32, #tpu.memory_space<vmem>>, vector<16xi32>,
      %get3A_117 = vector.shape_cast %get3A_116 : vector<16xi32> to vector<16xi32>
      %add3A_118 = arith.addi %add3A_114, %get3A_117 : vector<16xi32>
      %get3A_119 = arith.constant 464 : index
      %get3A_120 = tpu.vector_load %arg4[%get3A_119] {strides = array<i32>} : memref<2048xi32, #tpu.memory_space<vmem>>, vector<16xi32>,
      %get3A_121 = vector.shape_cast %get3A_120 : vector<16xi32> to vector<16xi32>
      %add3A_122 = arith.addi %add3A_118, %get3A_121 : vector<16xi32>
      %get3A_123 = arith.constant 480 : index
      %get3A_124 = tpu.vector_load %arg4[%get3A_123] {strides = array<i32>} : memref<2048xi32, #tpu.memory_space<vmem>>, vector<16xi32>,
      %get3A_125 = vector.shape_cast %get3A_124 : vector<16xi32> to vector<16xi32>
      %add3A_126 = arith.addi %add3A_122, %get3A_125 : vector<16xi32>
      %get3A_127 = arith.constant 496 : index
      %get3A_128 = tpu.vector_load %arg4[%get3A_127] {strides = array<i32>} : memref<2048xi32, #tpu.memory_space<vmem>>, vector<16xi32>,
      %get3A_129 = vector.shape_cast %get3A_128 : vector<16xi32> to vector<16xi32>
      %add3A_130 = arith.addi %add3A_126, %get3A_129 : vector<16xi32>
      %get3A_131 = arith.constant 512 : index
      %get3A_132 = tpu.vector_load %arg4[%get3A_131] {strides = array<i32>} : memref<2048xi32, #tpu.memory_space<vmem>>, vector<16xi32>,
      %get3A_133 = vector.shape_cast %get3A_132 : vector<16xi32> to vector<16xi32>
      %add3A_134 = arith.addi %add3A_130, %get3A_133 : vector<16xi32>
      %get3A_135 = arith.constant 528 : index
      %get3A_136 = tpu.vector_load %arg4[%get3A_135] {strides = array<i32>} : memref<2048xi32, #tpu.memory_space<vmem>>, vector<16xi32>,
      %get3A_137 = vector.shape_cast %get3A_136 : vector<16xi32> to vector<16xi32>
      %add3A_138 = arith.addi %add3A_134, %get3A_137 : vector<16xi32>
      %get3A_139 = arith.constant 544 : index
      %get3A_140 = tpu.vector_load %arg4[%get3A_139] {strides = array<i32>} : memref<2048xi32, #tpu.memory_space<vmem>>, vector<16xi32>,
      %get3A_141 = vector.shape_cast %get3A_140 : vector<16xi32> to vector<16xi32>
      %add3A_142 = arith.addi %add3A_138, %get3A_141 : vector<16xi32>
      %get3A_143 = arith.constant 560 : index
      %get3A_144 = tpu.vector_load %arg4[%get3A_143] {strides = array<i32>} : memref<2048xi32, #tpu.memory_space<vmem>>, vector<16xi32>,
      %get3A_145 = vector.shape_cast %get3A_144 : vector<16xi32> to vector<16xi32>
      %add3A_146 = arith.addi %add3A_142, %get3A_145 : vector<16xi32>
      %get3A_147 = arith.constant 576 : index
      %get3A_148 = tpu.vector_load %arg4[%get3A_147] {strides = array<i32>} : memref<2048xi32, #tpu.memory_space<vmem>>, vector<16xi32>,
      %get3A_149 = vector.shape_cast %get3A_148 : vector<16xi32> to vector<16xi32>
      %add3A_150 = arith.addi %add3A_146, %get3A_149 : vector<16xi32>
      %get3A_151 = arith.constant 592 : index
      %get3A_152 = tpu.vector_load %arg4[%get3A_151] {strides = array<i32>} : memref<2048xi32, #tpu.memory_space<vmem>>, vector<16xi32>,
      %get3A_153 = vector.shape_cast %get3A_152 : vector<16xi32> to vector<16xi32>
      %add3A_154 = arith.addi %add3A_150, %get3A_153 : vector<16xi32>
      %get3A_155 = arith.constant 608 : index
      %get3A_156 = tpu.vector_load %arg4[%get3A_155] {strides = array<i32>} : memref<2048xi32, #tpu.memory_space<vmem>>, vector<16xi32>,
      %get3A_157 = vector.shape_cast %get3A_156 : vector<16xi32> to vector<16xi32>
      %add3A_158 = arith.addi %add3A_154, %get3A_157 : vector<16xi32>
      %get3A_159 = arith.constant 624 : index
      %get3A_160 = tpu.vector_load %arg4[%get3A_159] {strides = array<i32>} : memref<2048xi32, #tpu.memory_space<vmem>>, vector<16xi32>,
      %get3A_161 = vector.shape_cast %get3A_160 : vector<16xi32> to vector<16xi32>
      %add3A_162 = arith.addi %add3A_158, %get3A_161 : vector<16xi32>
      %get3A_163 = arith.constant 640 : index
      %get3A_164 = tpu.vector_load %arg4[%get3A_163] {strides = array<i32>} : memref<2048xi32, #tpu.memory_space<vmem>>, vector<16xi32>,
      %get3A_165 = vector.shape_cast %get3A_164 : vector<16xi32> to vector<16xi32>
      %add3A_166 = arith.addi %add3A_162, %get3A_165 : vector<16xi32>
      %get3A_167 = arith.constant 656 : index
      %get3A_168 = tpu.vector_load %arg4[%get3A_167] {strides = array<i32>} : memref<2048xi32, #tpu.memory_space<vmem>>, vector<16xi32>,
      %get3A_169 = vector.shape_cast %get3A_168 : vector<16xi32> to vector<16xi32>
      %add3A_170 = arith.addi %add3A_166, %get3A_169 : vector<16xi32>
      %get3A_171 = arith.constant 672 : index
      %get3A_172 = tpu.vector_load %arg4[%get3A_171] {strides = array<i32>} : memref<2048xi32, #tpu.memory_space<vmem>>, vector<16xi32>,
      %get3A_173 = vector.shape_cast %get3A_172 : vector<16xi32> to vector<16xi32>
      %add3A_174 = arith.addi %add3A_170, %get3A_173 : vector<16xi32>
      %get3A_175 = arith.constant 688 : index
      %get3A_176 = tpu.vector_load %arg4[%get3A_175] {strides = array<i32>} : memref<2048xi32, #tpu.memory_space<vmem>>, vector<16xi32>,
      %get3A_177 = vector.shape_cast %get3A_176 : vector<16xi32> to vector<16xi32>
      %add3A_178 = arith.addi %add3A_174, %get3A_177 : vector<16xi32>
      %get3A_179 = arith.constant 704 : index
      %get3A_180 = tpu.vector_load %arg4[%get3A_179] {strides = array<i32>} : memref<2048xi32, #tpu.memory_space<vmem>>, vector<16xi32>,
      %get3A_181 = vector.shape_cast %get3A_180 : vector<16xi32> to vector<16xi32>
      %add3A_182 = arith.addi %add3A_178, %get3A_181 : vector<16xi32>
      %get3A_183 = arith.constant 720 : index
      %get3A_184 = tpu.vector_load %arg4[%get3A_183] {strides = array<i32>} : memref<2048xi32, #tpu.memory_space<vmem>>, vector<16xi32>,
      %get3A_185 = vector.shape_cast %get3A_184 : vector<16xi32> to vector<16xi32>
      %add3A_186 = arith.addi %add3A_182, %get3A_185 : vector<16xi32>
      %get3A_187 = arith.constant 736 : index
      %get3A_188 = tpu.vector_load %arg4[%get3A_187] {strides = array<i32>} : memref<2048xi32, #tpu.memory_space<vmem>>, vector<16xi32>,
      %get3A_189 = vector.shape_cast %get3A_188 : vector<16xi32> to vector<16xi32>
      %add3A_190 = arith.addi %add3A_186, %get3A_189 : vector<16xi32>
      %get3A_191 = arith.constant 752 : index
      %get3A_192 = tpu.vector_load %arg4[%get3A_191] {strides = array<i32>} : memref<2048xi32, #tpu.memory_space<vmem>>, vector<16xi32>,
      %get3A_193 = vector.shape_cast %get3A_192 : vector<16xi32> to vector<16xi32>
      %add3A_194 = arith.addi %add3A_190, %get3A_193 : vector<16xi32>
      %get3A_195 = arith.constant 768 : index
      %get3A_196 = tpu.vector_load %arg4[%get3A_195] {strides = array<i32>} : memref<2048xi32, #tpu.memory_space<vmem>>, vector<16xi32>,
      %get3A_197 = vector.shape_cast %get3A_196 : vector<16xi32> to vector<16xi32>
      %add3A_198 = arith.addi %add3A_194, %get3A_197 : vector<16xi32>
      %get3A_199 = arith.constant 784 : index
      %get3A_200 = tpu.vector_load %arg4[%get3A_199] {strides = array<i32>} : memref<2048xi32, #tpu.memory_space<vmem>>, vector<16xi32>,
      %get3A_201 = vector.shape_cast %get3A_200 : vector<16xi32> to vector<16xi32>
      %add3A_202 = arith.addi %add3A_198, %get3A_201 : vector<16xi32>
      %get3A_203 = arith.constant 800 : index
      %get3A_204 = tpu.vector_load %arg4[%get3A_203] {strides = array<i32>} : memref<2048xi32, #tpu.memory_space<vmem>>, vector<16xi32>,
      %get3A_205 = vector.shape_cast %get3A_204 : vector<16xi32> to vector<16xi32>
      %add3A_206 = arith.addi %add3A_202, %get3A_205 : vector<16xi32>
      %get3A_207 = arith.constant 816 : index
      %get3A_208 = tpu.vector_load %arg4[%get3A_207] {strides = array<i32>} : memref<2048xi32, #tpu.memory_space<vmem>>, vector<16xi32>,
      %get3A_209 = vector.shape_cast %get3A_208 : vector<16xi32> to vector<16xi32>
      %add3A_210 = arith.addi %add3A_206, %get3A_209 : vector<16xi32>
      %get3A_211 = arith.constant 832 : index
      %get3A_212 = tpu.vector_load %arg4[%get3A_211] {strides = array<i32>} : memref<2048xi32, #tpu.memory_space<vmem>>, vector<16xi32>,
      %get3A_213 = vector.shape_cast %get3A_212 : vector<16xi32> to vector<16xi32>
      %add3A_214 = arith.addi %add3A_210, %get3A_213 : vector<16xi32>
      %get3A_215 = arith.constant 848 : index
      %get3A_216 = tpu.vector_load %arg4[%get3A_215] {strides = array<i32>} : memref<2048xi32, #tpu.memory_space<vmem>>, vector<16xi32>,
      %get3A_217 = vector.shape_cast %get3A_216 : vector<16xi32> to vector<16xi32>
      %add3A_218 = arith.addi %add3A_214, %get3A_217 : vector<16xi32>
      %get3A_219 = arith.constant 864 : index
      %get3A_220 = tpu.vector_load %arg4[%get3A_219] {strides = array<i32>} : memref<2048xi32, #tpu.memory_space<vmem>>, vector<16xi32>,
      %get3A_221 = vector.shape_cast %get3A_220 : vector<16xi32> to vector<16xi32>
      %add3A_222 = arith.addi %add3A_218, %get3A_221 : vector<16xi32>
      %get3A_223 = arith.constant 880 : index
      %get3A_224 = tpu.vector_load %arg4[%get3A_223] {strides = array<i32>} : memref<2048xi32, #tpu.memory_space<vmem>>, vector<16xi32>,
      %get3A_225 = vector.shape_cast %get3A_224 : vector<16xi32> to vector<16xi32>
      %add3A_226 = arith.addi %add3A_222, %get3A_225 : vector<16xi32>
      %get3A_227 = arith.constant 896 : index
      %get3A_228 = tpu.vector_load %arg4[%get3A_227] {strides = array<i32>} : memref<2048xi32, #tpu.memory_space<vmem>>, vector<16xi32>,
      %get3A_229 = vector.shape_cast %get3A_228 : vector<16xi32> to vector<16xi32>
      %add3A_230 = arith.addi %add3A_226, %get3A_229 : vector<16xi32>
      %get3A_231 = arith.constant 912 : index
      %get3A_232 = tpu.vector_load %arg4[%get3A_231] {strides = array<i32>} : memref<2048xi32, #tpu.memory_space<vmem>>, vector<16xi32>,
      %get3A_233 = vector.shape_cast %get3A_232 : vector<16xi32> to vector<16xi32>
      %add3A_234 = arith.addi %add3A_230, %get3A_233 : vector<16xi32>
      %get3A_235 = arith.constant 928 : index
      %get3A_236 = tpu.vector_load %arg4[%get3A_235] {strides = array<i32>} : memref<2048xi32, #tpu.memory_space<vmem>>, vector<16xi32>,
      %get3A_237 = vector.shape_cast %get3A_236 : vector<16xi32> to vector<16xi32>
      %add3A_238 = arith.addi %add3A_234, %get3A_237 : vector<16xi32>
      %get3A_239 = arith.constant 944 : index
      %get3A_240 = tpu.vector_load %arg4[%get3A_239] {strides = array<i32>} : memref<2048xi32, #tpu.memory_space<vmem>>, vector<16xi32>,
      %get3A_241 = vector.shape_cast %get3A_240 : vector<16xi32> to vector<16xi32>
      %add3A_242 = arith.addi %add3A_238, %get3A_241 : vector<16xi32>
      %get3A_243 = arith.constant 960 : index
      %get3A_244 = tpu.vector_load %arg4[%get3A_243] {strides = array<i32>} : memref<2048xi32, #tpu.memory_space<vmem>>, vector<16xi32>,
      %get3A_245 = vector.shape_cast %get3A_244 : vector<16xi32> to vector<16xi32>
      %add3A_246 = arith.addi %add3A_242, %get3A_245 : vector<16xi32>
      %get3A_247 = arith.constant 976 : index
      %get3A_248 = tpu.vector_load %arg4[%get3A_247] {strides = array<i32>} : memref<2048xi32, #tpu.memory_space<vmem>>, vector<16xi32>,
      %get3A_249 = vector.shape_cast %get3A_248 : vector<16xi32> to vector<16xi32>
      %add3A_250 = arith.addi %add3A_246, %get3A_249 : vector<16xi32>
      %get3A_251 = arith.constant 992 : index
      %get3A_252 = tpu.vector_load %arg4[%get3A_251] {strides = array<i32>} : memref<2048xi32, #tpu.memory_space<vmem>>, vector<16xi32>,
      %get3A_253 = vector.shape_cast %get3A_252 : vector<16xi32> to vector<16xi32>
      %add3A_254 = arith.addi %add3A_250, %get3A_253 : vector<16xi32>
      %get3A_255 = arith.constant 1008 : index
      %get3A_256 = tpu.vector_load %arg4[%get3A_255] {strides = array<i32>} : memref<2048xi32, #tpu.memory_space<vmem>>, vector<16xi32>,
      %get3A_257 = vector.shape_cast %get3A_256 : vector<16xi32> to vector<16xi32>
      %add3A_258 = arith.addi %add3A_254, %get3A_257 : vector<16xi32>
      %get3A_259 = arith.constant 1024 : index
      %get3A_260 = tpu.vector_load %arg4[%get3A_259] {strides = array<i32>} : memref<2048xi32, #tpu.memory_space<vmem>>, vector<16xi32>,
      %get3A_261 = vector.shape_cast %get3A_260 : vector<16xi32> to vector<16xi32>
      %add3A_262 = arith.addi %add3A_258, %get3A_261 : vector<16xi32>
      %get3A_263 = arith.constant 1040 : index
      %get3A_264 = tpu.vector_load %arg4[%get3A_263] {strides = array<i32>} : memref<2048xi32, #tpu.memory_space<vmem>>, vector<16xi32>,
      %get3A_265 = vector.shape_cast %get3A_264 : vector<16xi32> to vector<16xi32>
      %add3A_266 = arith.addi %add3A_262, %get3A_265 : vector<16xi32>
      %get3A_267 = arith.constant 1056 : index
      %get3A_268 = tpu.vector_load %arg4[%get3A_267] {strides = array<i32>} : memref<2048xi32, #tpu.memory_space<vmem>>, vector<16xi32>,
      %get3A_269 = vector.shape_cast %get3A_268 : vector<16xi32> to vector<16xi32>
      %add3A_270 = arith.addi %add3A_266, %get3A_269 : vector<16xi32>
      %get3A_271 = arith.constant 1072 : index
      %get3A_272 = tpu.vector_load %arg4[%get3A_271] {strides = array<i32>} : memref<2048xi32, #tpu.memory_space<vmem>>, vector<16xi32>,
      %get3A_273 = vector.shape_cast %get3A_272 : vector<16xi32> to vector<16xi32>
      %add3A_274 = arith.addi %add3A_270, %get3A_273 : vector<16xi32>
      %get3A_275 = arith.constant 1088 : index
      %get3A_276 = tpu.vector_load %arg4[%get3A_275] {strides = array<i32>} : memref<2048xi32, #tpu.memory_space<vmem>>, vector<16xi32>,
      %get3A_277 = vector.shape_cast %get3A_276 : vector<16xi32> to vector<16xi32>
      %add3A_278 = arith.addi %add3A_274, %get3A_277 : vector<16xi32>
      %get3A_279 = arith.constant 1104 : index
      %get3A_280 = tpu.vector_load %arg4[%get3A_279] {strides = array<i32>} : memref<2048xi32, #tpu.memory_space<vmem>>, vector<16xi32>,
      %get3A_281 = vector.shape_cast %get3A_280 : vector<16xi32> to vector<16xi32>
      %add3A_282 = arith.addi %add3A_278, %get3A_281 : vector<16xi32>
      %get3A_283 = arith.constant 1120 : index
      %get3A_284 = tpu.vector_load %arg4[%get3A_283] {strides = array<i32>} : memref<2048xi32, #tpu.memory_space<vmem>>, vector<16xi32>,
      %get3A_285 = vector.shape_cast %get3A_284 : vector<16xi32> to vector<16xi32>
      %add3A_286 = arith.addi %add3A_282, %get3A_285 : vector<16xi32>
      %get3A_287 = arith.constant 1136 : index
      %get3A_288 = tpu.vector_load %arg4[%get3A_287] {strides = array<i32>} : memref<2048xi32, #tpu.memory_space<vmem>>, vector<16xi32>,
      %get3A_289 = vector.shape_cast %get3A_288 : vector<16xi32> to vector<16xi32>
      %add3A_290 = arith.addi %add3A_286, %get3A_289 : vector<16xi32>
      %get3A_291 = arith.constant 1152 : index
      %get3A_292 = tpu.vector_load %arg4[%get3A_291] {strides = array<i32>} : memref<2048xi32, #tpu.memory_space<vmem>>, vector<16xi32>,
      %get3A_293 = vector.shape_cast %get3A_292 : vector<16xi32> to vector<16xi32>
      %add3A_294 = arith.addi %add3A_290, %get3A_293 : vector<16xi32>
      %get3A_295 = arith.constant 1168 : index
      %get3A_296 = tpu.vector_load %arg4[%get3A_295] {strides = array<i32>} : memref<2048xi32, #tpu.memory_space<vmem>>, vector<16xi32>,
      %get3A_297 = vector.shape_cast %get3A_296 : vector<16xi32> to vector<16xi32>
      %add3A_298 = arith.addi %add3A_294, %get3A_297 : vector<16xi32>
      %get3A_299 = arith.constant 1184 : index
      %get3A_300 = tpu.vector_load %arg4[%get3A_299] {strides = array<i32>} : memref<2048xi32, #tpu.memory_space<vmem>>, vector<16xi32>,
      %get3A_301 = vector.shape_cast %get3A_300 : vector<16xi32> to vector<16xi32>
      %add3A_302 = arith.addi %add3A_298, %get3A_301 : vector<16xi32>
      %get3A_303 = arith.constant 1200 : index
      %get3A_304 = tpu.vector_load %arg4[%get3A_303] {strides = array<i32>} : memref<2048xi32, #tpu.memory_space<vmem>>, vector<16xi32>,
      %get3A_305 = vector.shape_cast %get3A_304 : vector<16xi32> to vector<16xi32>
      %add3A_306 = arith.addi %add3A_302, %get3A_305 : vector<16xi32>
      %get3A_307 = arith.constant 1216 : index
      %get3A_308 = tpu.vector_load %arg4[%get3A_307] {strides = array<i32>} : memref<2048xi32, #tpu.memory_space<vmem>>, vector<16xi32>,
      %get3A_309 = vector.shape_cast %get3A_308 : vector<16xi32> to vector<16xi32>
      %add3A_310 = arith.addi %add3A_306, %get3A_309 : vector<16xi32>
      %get3A_311 = arith.constant 1232 : index
      %get3A_312 = tpu.vector_load %arg4[%get3A_311] {strides = array<i32>} : memref<2048xi32, #tpu.memory_space<vmem>>, vector<16xi32>,
      %get3A_313 = vector.shape_cast %get3A_312 : vector<16xi32> to vector<16xi32>
      %add3A_314 = arith.addi %add3A_310, %get3A_313 : vector<16xi32>
      %get3A_315 = arith.constant 1248 : index
      %get3A_316 = tpu.vector_load %arg4[%get3A_315] {strides = array<i32>} : memref<2048xi32, #tpu.memory_space<vmem>>, vector<16xi32>,
      %get3A_317 = vector.shape_cast %get3A_316 : vector<16xi32> to vector<16xi32>
      %add3A_318 = arith.addi %add3A_314, %get3A_317 : vector<16xi32>
      %get3A_319 = arith.constant 1264 : index
      %get3A_320 = tpu.vector_load %arg4[%get3A_319] {strides = array<i32>} : memref<2048xi32, #tpu.memory_space<vmem>>, vector<16xi32>,
      %get3A_321 = vector.shape_cast %get3A_320 : vector<16xi32> to vector<16xi32>
      %add3A_322 = arith.addi %add3A_318, %get3A_321 : vector<16xi32>
      %get3A_323 = arith.constant 1280 : index
      %get3A_324 = tpu.vector_load %arg4[%get3A_323] {strides = array<i32>} : memref<2048xi32, #tpu.memory_space<vmem>>, vector<16xi32>,
      %get3A_325 = vector.shape_cast %get3A_324 : vector<16xi32> to vector<16xi32>
      %add3A_326 = arith.addi %add3A_322, %get3A_325 : vector<16xi32>
      %get3A_327 = arith.constant 1296 : index
      %get3A_328 = tpu.vector_load %arg4[%get3A_327] {strides = array<i32>} : memref<2048xi32, #tpu.memory_space<vmem>>, vector<16xi32>,
      %get3A_329 = vector.shape_cast %get3A_328 : vector<16xi32> to vector<16xi32>
      %add3A_330 = arith.addi %add3A_326, %get3A_329 : vector<16xi32>
      %get3A_331 = arith.constant 1312 : index
      %get3A_332 = tpu.vector_load %arg4[%get3A_331] {strides = array<i32>} : memref<2048xi32, #tpu.memory_space<vmem>>, vector<16xi32>,
      %get3A_333 = vector.shape_cast %get3A_332 : vector<16xi32> to vector<16xi32>
      %add3A_334 = arith.addi %add3A_330, %get3A_333 : vector<16xi32>
      %get3A_335 = arith.constant 1328 : index
      %get3A_336 = tpu.vector_load %arg4[%get3A_335] {strides = array<i32>} : memref<2048xi32, #tpu.memory_space<vmem>>, vector<16xi32>,
      %get3A_337 = vector.shape_cast %get3A_336 : vector<16xi32> to vector<16xi32>
      %add3A_338 = arith.addi %add3A_334, %get3A_337 : vector<16xi32>
      %get3A_339 = arith.constant 1344 : index
      %get3A_340 = tpu.vector_load %arg4[%get3A_339] {strides = array<i32>} : memref<2048xi32, #tpu.memory_space<vmem>>, vector<16xi32>,
      %get3A_341 = vector.shape_cast %get3A_340 : vector<16xi32> to vector<16xi32>
      %add3A_342 = arith.addi %add3A_338, %get3A_341 : vector<16xi32>
      %get3A_343 = arith.constant 1360 : index
      %get3A_344 = tpu.vector_load %arg4[%get3A_343] {strides = array<i32>} : memref<2048xi32, #tpu.memory_space<vmem>>, vector<16xi32>,
      %get3A_345 = vector.shape_cast %get3A_344 : vector<16xi32> to vector<16xi32>
      %add3A_346 = arith.addi %add3A_342, %get3A_345 : vector<16xi32>
      %get3A_347 = arith.constant 1376 : index
      %get3A_348 = tpu.vector_load %arg4[%get3A_347] {strides = array<i32>} : memref<2048xi32, #tpu.memory_space<vmem>>, vector<16xi32>,
      %get3A_349 = vector.shape_cast %get3A_348 : vector<16xi32> to vector<16xi32>
      %add3A_350 = arith.addi %add3A_346, %get3A_349 : vector<16xi32>
      %get3A_351 = arith.constant 1392 : index
      %get3A_352 = tpu.vector_load %arg4[%get3A_351] {strides = array<i32>} : memref<2048xi32, #tpu.memory_space<vmem>>, vector<16xi32>,
      %get3A_353 = vector.shape_cast %get3A_352 : vector<16xi32> to vector<16xi32>
      %add3A_354 = arith.addi %add3A_350, %get3A_353 : vector<16xi32>
      %get3A_355 = arith.constant 1408 : index
      %get3A_356 = tpu.vector_load %arg4[%get3A_355] {strides = array<i32>} : memref<2048xi32, #tpu.memory_space<vmem>>, vector<16xi32>,
      %get3A_357 = vector.shape_cast %get3A_356 : vector<16xi32> to vector<16xi32>
      %add3A_358 = arith.addi %add3A_354, %get3A_357 : vector<16xi32>
      %get3A_359 = arith.constant 1424 : index
      %get3A_360 = tpu.vector_load %arg4[%get3A_359] {strides = array<i32>} : memref<2048xi32, #tpu.memory_space<vmem>>, vector<16xi32>,
      %get3A_361 = vector.shape_cast %get3A_360 : vector<16xi32> to vector<16xi32>
      %add3A_362 = arith.addi %add3A_358, %get3A_361 : vector<16xi32>
      %get3A_363 = arith.constant 1440 : index
      %get3A_364 = tpu.vector_load %arg4[%get3A_363] {strides = array<i32>} : memref<2048xi32, #tpu.memory_space<vmem>>, vector<16xi32>,
      %get3A_365 = vector.shape_cast %get3A_364 : vector<16xi32> to vector<16xi32>
      %add3A_366 = arith.addi %add3A_362, %get3A_365 : vector<16xi32>
      %get3A_367 = arith.constant 1456 : index
      %get3A_368 = tpu.vector_load %arg4[%get3A_367] {strides = array<i32>} : memref<2048xi32, #tpu.memory_space<vmem>>, vector<16xi32>,
      %get3A_369 = vector.shape_cast %get3A_368 : vector<16xi32> to vector<16xi32>
      %add3A_370 = arith.addi %add3A_366, %get3A_369 : vector<16xi32>
      %get3A_371 = arith.constant 1472 : index
      %get3A_372 = tpu.vector_load %arg4[%get3A_371] {strides = array<i32>} : memref<2048xi32, #tpu.memory_space<vmem>>, vector<16xi32>,
      %get3A_373 = vector.shape_cast %get3A_372 : vector<16xi32> to vector<16xi32>
      %add3A_374 = arith.addi %add3A_370, %get3A_373 : vector<16xi32>
      %get3A_375 = arith.constant 1488 : index
      %get3A_376 = tpu.vector_load %arg4[%get3A_375] {strides = array<i32>} : memref<2048xi32, #tpu.memory_space<vmem>>, vector<16xi32>,
      %get3A_377 = vector.shape_cast %get3A_376 : vector<16xi32> to vector<16xi32>
      %add3A_378 = arith.addi %add3A_374, %get3A_377 : vector<16xi32>
      %get3A_379 = arith.constant 1504 : index
      %get3A_380 = tpu.vector_load %arg4[%get3A_379] {strides = array<i32>} : memref<2048xi32, #tpu.memory_space<vmem>>, vector<16xi32>,
      %get3A_381 = vector.shape_cast %get3A_380 : vector<16xi32> to vector<16xi32>
      %add3A_382 = arith.addi %add3A_378, %get3A_381 : vector<16xi32>
      %get3A_383 = arith.constant 1520 : index
      %get3A_384 = tpu.vector_load %arg4[%get3A_383] {strides = array<i32>} : memref<2048xi32, #tpu.memory_space<vmem>>, vector<16xi32>,
      %get3A_385 = vector.shape_cast %get3A_384 : vector<16xi32> to vector<16xi32>
      %add3A_386 = arith.addi %add3A_382, %get3A_385 : vector<16xi32>
      %get3A_387 = arith.constant 1536 : index
      %get3A_388 = tpu.vector_load %arg4[%get3A_387] {strides = array<i32>} : memref<2048xi32, #tpu.memory_space<vmem>>, vector<16xi32>,
      %get3A_389 = vector.shape_cast %get3A_388 : vector<16xi32> to vector<16xi32>
      %add3A_390 = arith.addi %add3A_386, %get3A_389 : vector<16xi32>
      %get3A_391 = arith.constant 1552 : index
      %get3A_392 = tpu.vector_load %arg4[%get3A_391] {strides = array<i32>} : memref<2048xi32, #tpu.memory_space<vmem>>, vector<16xi32>,
      %get3A_393 = vector.shape_cast %get3A_392 : vector<16xi32> to vector<16xi32>
      %add3A_394 = arith.addi %add3A_390, %get3A_393 : vector<16xi32>
      %get3A_395 = arith.constant 1568 : index
      %get3A_396 = tpu.vector_load %arg4[%get3A_395] {strides = array<i32>} : memref<2048xi32, #tpu.memory_space<vmem>>, vector<16xi32>,
      %get3A_397 = vector.shape_cast %get3A_396 : vector<16xi32> to vector<16xi32>
      %add3A_398 = arith.addi %add3A_394, %get3A_397 : vector<16xi32>
      %get3A_399 = arith.constant 1584 : index
      %get3A_400 = tpu.vector_load %arg4[%get3A_399] {strides = array<i32>} : memref<2048xi32, #tpu.memory_space<vmem>>, vector<16xi32>,
      %get3A_401 = vector.shape_cast %get3A_400 : vector<16xi32> to vector<16xi32>
      %add3A_402 = arith.addi %add3A_398, %get3A_401 : vector<16xi32>
      %get3A_403 = arith.constant 1600 : index
      %get3A_404 = tpu.vector_load %arg4[%get3A_403] {strides = array<i32>} : memref<2048xi32, #tpu.memory_space<vmem>>, vector<16xi32>,
      %get3A_405 = vector.shape_cast %get3A_404 : vector<16xi32> to vector<16xi32>
      %add3A_406 = arith.addi %add3A_402, %get3A_405 : vector<16xi32>
      %get3A_407 = arith.constant 1616 : index
      %get3A_408 = tpu.vector_load %arg4[%get3A_407] {strides = array<i32>} : memref<2048xi32, #tpu.memory_space<vmem>>, vector<16xi32>,
      %get3A_409 = vector.shape_cast %get3A_408 : vector<16xi32> to vector<16xi32>
      %add3A_410 = arith.addi %add3A_406, %get3A_409 : vector<16xi32>
      %get3A_411 = arith.constant 1632 : index
      %get3A_412 = tpu.vector_load %arg4[%get3A_411] {strides = array<i32>} : memref<2048xi32, #tpu.memory_space<vmem>>, vector<16xi32>,
      %get3A_413 = vector.shape_cast %get3A_412 : vector<16xi32> to vector<16xi32>
      %add3A_414 = arith.addi %add3A_410, %get3A_413 : vector<16xi32>
      %get3A_415 = arith.constant 1648 : index
      %get3A_416 = tpu.vector_load %arg4[%get3A_415] {strides = array<i32>} : memref<2048xi32, #tpu.memory_space<vmem>>, vector<16xi32>,
      %get3A_417 = vector.shape_cast %get3A_416 : vector<16xi32> to vector<16xi32>
      %add3A_418 = arith.addi %add3A_414, %get3A_417 : vector<16xi32>
      %get3A_419 = arith.constant 1664 : index
      %get3A_420 = tpu.vector_load %arg4[%get3A_419] {strides = array<i32>} : memref<2048xi32, #tpu.memory_space<vmem>>, vector<16xi32>,
      %get3A_421 = vector.shape_cast %get3A_420 : vector<16xi32> to vector<16xi32>
      %add3A_422 = arith.addi %add3A_418, %get3A_421 : vector<16xi32>
      %get3A_423 = arith.constant 1680 : index
      %get3A_424 = tpu.vector_load %arg4[%get3A_423] {strides = array<i32>} : memref<2048xi32, #tpu.memory_space<vmem>>, vector<16xi32>,
      %get3A_425 = vector.shape_cast %get3A_424 : vector<16xi32> to vector<16xi32>
      %add3A_426 = arith.addi %add3A_422, %get3A_425 : vector<16xi32>
      %get3A_427 = arith.constant 1696 : index
      %get3A_428 = tpu.vector_load %arg4[%get3A_427] {strides = array<i32>} : memref<2048xi32, #tpu.memory_space<vmem>>, vector<16xi32>,
      %get3A_429 = vector.shape_cast %get3A_428 : vector<16xi32> to vector<16xi32>
      %add3A_430 = arith.addi %add3A_426, %get3A_429 : vector<16xi32>
      %get3A_431 = arith.constant 1712 : index
      %get3A_432 = tpu.vector_load %arg4[%get3A_431] {strides = array<i32>} : memref<2048xi32, #tpu.memory_space<vmem>>, vector<16xi32>,
      %get3A_433 = vector.shape_cast %get3A_432 : vector<16xi32> to vector<16xi32>
      %add3A_434 = arith.addi %add3A_430, %get3A_433 : vector<16xi32>
      %get3A_435 = arith.constant 1728 : index
      %get3A_436 = tpu.vector_load %arg4[%get3A_435] {strides = array<i32>} : memref<2048xi32, #tpu.memory_space<vmem>>, vector<16xi32>,
      %get3A_437 = vector.shape_cast %get3A_436 : vector<16xi32> to vector<16xi32>
      %add3A_438 = arith.addi %add3A_434, %get3A_437 : vector<16xi32>
      %get3A_439 = arith.constant 1744 : index
      %get3A_440 = tpu.vector_load %arg4[%get3A_439] {strides = array<i32>} : memref<2048xi32, #tpu.memory_space<vmem>>, vector<16xi32>,
      %get3A_441 = vector.shape_cast %get3A_440 : vector<16xi32> to vector<16xi32>
      %add3A_442 = arith.addi %add3A_438, %get3A_441 : vector<16xi32>
      %get3A_443 = arith.constant 1760 : index
      %get3A_444 = tpu.vector_load %arg4[%get3A_443] {strides = array<i32>} : memref<2048xi32, #tpu.memory_space<vmem>>, vector<16xi32>,
      %get3A_445 = vector.shape_cast %get3A_444 : vector<16xi32> to vector<16xi32>
      %add3A_446 = arith.addi %add3A_442, %get3A_445 : vector<16xi32>
      %get3A_447 = arith.constant 1776 : index
      %get3A_448 = tpu.vector_load %arg4[%get3A_447] {strides = array<i32>} : memref<2048xi32, #tpu.memory_space<vmem>>, vector<16xi32>,
      %get3A_449 = vector.shape_cast %get3A_448 : vector<16xi32> to vector<16xi32>
      %add3A_450 = arith.addi %add3A_446, %get3A_449 : vector<16xi32>
      %get3A_451 = arith.constant 1792 : index
      %get3A_452 = tpu.vector_load %arg4[%get3A_451] {strides = array<i32>} : memref<2048xi32, #tpu.memory_space<vmem>>, vector<16xi32>,
      %get3A_453 = vector.shape_cast %get3A_452 : vector<16xi32> to vector<16xi32>
      %add3A_454 = arith.addi %add3A_450, %get3A_453 : vector<16xi32>
      %get3A_455 = arith.constant 1808 : index
      %get3A_456 = tpu.vector_load %arg4[%get3A_455] {strides = array<i32>} : memref<2048xi32, #tpu.memory_space<vmem>>, vector<16xi32>,
      %get3A_457 = vector.shape_cast %get3A_456 : vector<16xi32> to vector<16xi32>
      %add3A_458 = arith.addi %add3A_454, %get3A_457 : vector<16xi32>
      %get3A_459 = arith.constant 1824 : index
      %get3A_460 = tpu.vector_load %arg4[%get3A_459] {strides = array<i32>} : memref<2048xi32, #tpu.memory_space<vmem>>, vector<16xi32>,
      %get3A_461 = vector.shape_cast %get3A_460 : vector<16xi32> to vector<16xi32>
      %add3A_462 = arith.addi %add3A_458, %get3A_461 : vector<16xi32>
      %get3A_463 = arith.constant 1840 : index
      %get3A_464 = tpu.vector_load %arg4[%get3A_463] {strides = array<i32>} : memref<2048xi32, #tpu.memory_space<vmem>>, vector<16xi32>,
      %get3A_465 = vector.shape_cast %get3A_464 : vector<16xi32> to vector<16xi32>
      %add3A_466 = arith.addi %add3A_462, %get3A_465 : vector<16xi32>
      %get3A_467 = arith.constant 1856 : index
      %get3A_468 = tpu.vector_load %arg4[%get3A_467] {strides = array<i32>} : memref<2048xi32, #tpu.memory_space<vmem>>, vector<16xi32>,
      %get3A_469 = vector.shape_cast %get3A_468 : vector<16xi32> to vector<16xi32>
      %add3A_470 = arith.addi %add3A_466, %get3A_469 : vector<16xi32>
      %get3A_471 = arith.constant 1872 : index
      %get3A_472 = tpu.vector_load %arg4[%get3A_471] {strides = array<i32>} : memref<2048xi32, #tpu.memory_space<vmem>>, vector<16xi32>,
      %get3A_473 = vector.shape_cast %get3A_472 : vector<16xi32> to vector<16xi32>
      %add3A_474 = arith.addi %add3A_470, %get3A_473 : vector<16xi32>
      %get3A_475 = arith.constant 1888 : index
      %get3A_476 = tpu.vector_load %arg4[%get3A_475] {strides = array<i32>} : memref<2048xi32, #tpu.memory_space<vmem>>, vector<16xi32>,
      %get3A_477 = vector.shape_cast %get3A_476 : vector<16xi32> to vector<16xi32>
      %add3A_478 = arith.addi %add3A_474, %get3A_477 : vector<16xi32>
      %get3A_479 = arith.constant 1904 : index
      %get3A_480 = tpu.vector_load %arg4[%get3A_479] {strides = array<i32>} : memref<2048xi32, #tpu.memory_space<vmem>>, vector<16xi32>,
      %get3A_481 = vector.shape_cast %get3A_480 : vector<16xi32> to vector<16xi32>
      %add3A_482 = arith.addi %add3A_478, %get3A_481 : vector<16xi32>
      %get3A_483 = arith.constant 1920 : index
      %get3A_484 = tpu.vector_load %arg4[%get3A_483] {strides = array<i32>} : memref<2048xi32, #tpu.memory_space<vmem>>, vector<16xi32>,
      %get3A_485 = vector.shape_cast %get3A_484 : vector<16xi32> to vector<16xi32>
      %add3A_486 = arith.addi %add3A_482, %get3A_485 : vector<16xi32>
      %get3A_487 = arith.constant 1936 : index
      %get3A_488 = tpu.vector_load %arg4[%get3A_487] {strides = array<i32>} : memref<2048xi32, #tpu.memory_space<vmem>>, vector<16xi32>,
      %get3A_489 = vector.shape_cast %get3A_488 : vector<16xi32> to vector<16xi32>
      %add3A_490 = arith.addi %add3A_486, %get3A_489 : vector<16xi32>
      %get3A_491 = arith.constant 1952 : index
      %get3A_492 = tpu.vector_load %arg4[%get3A_491] {strides = array<i32>} : memref<2048xi32, #tpu.memory_space<vmem>>, vector<16xi32>,
      %get3A_493 = vector.shape_cast %get3A_492 : vector<16xi32> to vector<16xi32>
      %add3A_494 = arith.addi %add3A_490, %get3A_493 : vector<16xi32>
      %get3A_495 = arith.constant 1968 : index
      %get3A_496 = tpu.vector_load %arg4[%get3A_495] {strides = array<i32>} : memref<2048xi32, #tpu.memory_space<vmem>>, vector<16xi32>,
      %get3A_497 = vector.shape_cast %get3A_496 : vector<16xi32> to vector<16xi32>
      %add3A_498 = arith.addi %add3A_494, %get3A_497 : vector<16xi32>
      %get3A_499 = arith.constant 1984 : index
      %get3A_500 = tpu.vector_load %arg4[%get3A_499] {strides = array<i32>} : memref<2048xi32, #tpu.memory_space<vmem>>, vector<16xi32>,
      %get3A_501 = vector.shape_cast %get3A_500 : vector<16xi32> to vector<16xi32>
      %add3A_502 = arith.addi %add3A_498, %get3A_501 : vector<16xi32>
      %get3A_503 = arith.constant 2000 : index
      %get3A_504 = tpu.vector_load %arg4[%get3A_503] {strides = array<i32>} : memref<2048xi32, #tpu.memory_space<vmem>>, vector<16xi32>,
      %get3A_505 = vector.shape_cast %get3A_504 : vector<16xi32> to vector<16xi32>
      %add3A_506 = arith.addi %add3A_502, %get3A_505 : vector<16xi32>
      %get3A_507 = arith.constant 2016 : index
      %get3A_508 = tpu.vector_load %arg4[%get3A_507] {strides = array<i32>} : memref<2048xi32, #tpu.memory_space<vmem>>, vector<16xi32>,
      %get3A_509 = vector.shape_cast %get3A_508 : vector<16xi32> to vector<16xi32>
      %add3A_510 = arith.addi %add3A_506, %get3A_509 : vector<16xi32>
      %get3A_511 = arith.constant 2032 : index
      %get3A_512 = tpu.vector_load %arg4[%get3A_511] {strides = array<i32>} : memref<2048xi32, #tpu.memory_space<vmem>>, vector<16xi32>,
      %get3A_513 = vector.shape_cast %get3A_512 : vector<16xi32> to vector<16xi32>
      %add3A_514 = arith.addi %add3A_510, %get3A_513 : vector<16xi32>
      %swap3A = arith.constant 0 : index
      %swap3A_515 = tpu.vector_load %arg5[%swap3A] {strides = array<i32>} : memref<16xi32, #tpu.memory_space<vmem>>, vector<16xi32>,
      %swap3A_516 = vector.shape_cast %swap3A_515 : vector<16xi32> to vector<16xi32>
      %swap3A_517 = vector.shape_cast %add3A_514 : vector<16xi32> to vector<16xi32>
      tpu.vector_store %arg5[%swap3A], %swap3A_517 {strides = array<i32>} : memref<16xi32, #tpu.memory_space<vmem>>, vector<16xi32>,
      "tpu.region"() ({
        %run_scoped3A = tpu.sem_alloc : memref<!tpu.dma_semaphore, #tpu.memory_space<semaphore_mem>>
        %dma_start3A = arith.constant 0 : i32
        %dma_start3A_518 = tpu.memref_slice %arg3[%add3A, %dma_start3A] : memref<16x16xi32, #tpu.memory_space<hbm>> -> memref<1x16xi32, #tpu.memory_space<hbm>>
        %dma_start3A_519 = tpu.memref_squeeze %dma_start3A_518 : memref<1x16xi32, #tpu.memory_space<hbm>> -> memref<16xi32, #tpu.memory_space<hbm>>
        %dma_start3A_520 = arith.constant 0 : i32
        %dma_start3A_521 = tpu.memref_slice %arg3[%add3A, %dma_start3A_520] : memref<16x16xi32, #tpu.memory_space<hbm>> -> memref<1x16xi32, #tpu.memory_space<hbm>>
        %dma_start3A_522 = tpu.memref_squeeze %dma_start3A_521 : memref<1x16xi32, #tpu.memory_space<hbm>> -> memref<16xi32, #tpu.memory_space<hbm>>
        tpu.enqueue_dma source(%arg5 : memref<16xi32, #tpu.memory_space<vmem>>) target(%dma_start3A_522 : memref<16xi32, #tpu.memory_space<hbm>>) target_semaphore(%run_scoped3A : memref<!tpu.dma_semaphore, #tpu.memory_space<semaphore_mem>>)
        %dma_wait3A = arith.constant 0 : i32
        %dma_wait3A_523 = tpu.memref_slice %arg3[%add3A, %dma_wait3A] : memref<16x16xi32, #tpu.memory_space<hbm>> -> memref<1x16xi32, #tpu.memory_space<hbm>>
        %dma_wait3A_524 = tpu.memref_squeeze %dma_wait3A_523 : memref<1x16xi32, #tpu.memory_space<hbm>> -> memref<16xi32, #tpu.memory_space<hbm>>
        %dma_wait3A_525 = arith.constant 0 : i32
        %dma_wait3A_526 = tpu.memref_slice %arg3[%add3A, %dma_wait3A_525] : memref<16x16xi32, #tpu.memory_space<hbm>> -> memref<1x16xi32, #tpu.memory_space<hbm>>
        %dma_wait3A_527 = tpu.memref_squeeze %dma_wait3A_526 : memref<1x16xi32, #tpu.memory_space<hbm>> -> memref<16xi32, #tpu.memory_space<hbm>>
        tpu.wait_dma2 semaphore(%run_scoped3A : memref<!tpu.dma_semaphore, #tpu.memory_space<semaphore_mem>>) src(%arg5 : memref<16xi32, #tpu.memory_space<vmem>>) dst(%dma_wait3A_527 : memref<16xi32, #tpu.memory_space<hbm>>)
        tpu.yield
      }) : () -> ()
    } else {
    }
    return
  }
}

module attributes {stable_mosaic.version = 14 : i64} {
  func.func @_tc_body(%arg0: i32, %arg1: memref<1x64x2048xf32, #tpu.memory_space<vmem>>, %arg2: memref<1x64x2048xi32, #tpu.memory_space<vmem>>, %arg3: memref<7x3xf32, #tpu.memory_space<vmem>>, %arg4: memref<1x1x128xf32, #tpu.memory_space<vmem>>, %arg5: memref<1x1x128xf32, #tpu.memory_space<vmem>>) attributes {dimension_semantics = [#tpu.dimension_semantics<parallel>], iteration_bounds = array<i64: 16>, scalar_prefetch = 0 : i64, scratch_operands = 0 : i64, tpu.core_type = #tpu.core_type<tc>, window_params = [{transform_indices = @transform_0, window_bounds = array<i64: 1, 64, 2048>}, {transform_indices = @transform_1, window_bounds = array<i64: 1, 64, 2048>}, {pipeline_mode = #tpu.pipeline_mode<synchronous>, transform_indices = @transform_2, window_bounds = array<i64: 7, 3>}, {transform_indices = @transform_3, window_bounds = array<i64: 1, 1, 128>}, {transform_indices = @transform_4, window_bounds = array<i64: 1, 1, 128>}]} {
    %get3A = arith.constant 0 : index
    %get3A_0 = arith.constant 0 : index
    %get3A_1 = arith.constant 0 : index
    %get3A_2 = vector.load %arg1[%get3A, %get3A_0, %get3A_1] : memref<1x64x2048xf32, #tpu.memory_space<vmem>>, vector<1x64x2048xf32>
    %get3A_3 = vector.shape_cast %get3A_2 : vector<1x64x2048xf32> to vector<64x2048xf32>
    %get3A_4 = arith.constant 0 : index
    %get3A_5 = arith.constant 0 : index
    %get3A_6 = arith.constant 0 : index
    %get3A_7 = vector.load %arg2[%get3A_4, %get3A_5, %get3A_6] : memref<1x64x2048xi32, #tpu.memory_space<vmem>>, vector<1x64x2048xi32>
    %get3A_8 = vector.shape_cast %get3A_7 : vector<1x64x2048xi32> to vector<64x2048xi32>
    %eq3A = arith.constant 1 : i32
    %eq3A_9 = vector.broadcast %eq3A : i32 to vector<64x2048xi32>
    %eq3A_10 = arith.cmpi eq, %get3A_8, %eq3A_9 : vector<64x2048xi32>
    %eq3A_11 = arith.constant 2 : i32
    %eq3A_12 = vector.broadcast %eq3A_11 : i32 to vector<64x2048xi32>
    %eq3A_13 = arith.cmpi eq, %get3A_8, %eq3A_12 : vector<64x2048xi32>
    %get3A_14 = arith.constant 5 : index
    %get3A_15 = arith.constant 1 : index
    %get3A_16 = vector.load %arg3[%get3A_14, %get3A_15] : memref<7x3xf32, #tpu.memory_space<vmem>>, vector<1x1xf32>
    %get3A_17 = vector.extract %get3A_16[0, 0] : f32 from vector<1x1xf32>
    %get3A_18 = arith.constant 5 : index
    %get3A_19 = arith.constant 2 : index
    %get3A_20 = vector.load %arg3[%get3A_18, %get3A_19] : memref<7x3xf32, #tpu.memory_space<vmem>>, vector<1x1xf32>
    %get3A_21 = vector.extract %get3A_20[0, 0] : f32 from vector<1x1xf32>
    %get3A_22 = arith.constant 5 : index
    %get3A_23 = arith.constant 0 : index
    %get3A_24 = vector.load %arg3[%get3A_22, %get3A_23] : memref<7x3xf32, #tpu.memory_space<vmem>>, vector<1x1xf32>
    %get3A_25 = vector.extract %get3A_24[0, 0] : f32 from vector<1x1xf32>
    %broadcast_in_dim3A = vector.broadcast %get3A_21 : f32 to vector<64x2048xf32>
    %broadcast_in_dim3A_26 = vector.broadcast %get3A_25 : f32 to vector<64x2048xf32>
    %select_n3A = arith.select %eq3A_13, %broadcast_in_dim3A, %broadcast_in_dim3A_26 : vector<64x2048xi1>, vector<64x2048xf32>
    %broadcast_in_dim3A_27 = vector.broadcast %get3A_17 : f32 to vector<64x2048xf32>
    %select_n3A_28 = arith.select %eq3A_10, %broadcast_in_dim3A_27, %select_n3A : vector<64x2048xi1>, vector<64x2048xf32>
    %mul3A = arith.mulf %select_n3A_28, %get3A_3 : vector<64x2048xf32>
    %get3A_29 = arith.constant 4 : index
    %get3A_30 = arith.constant 1 : index
    %get3A_31 = vector.load %arg3[%get3A_29, %get3A_30] : memref<7x3xf32, #tpu.memory_space<vmem>>, vector<1x1xf32>
    %get3A_32 = vector.extract %get3A_31[0, 0] : f32 from vector<1x1xf32>
    %get3A_33 = arith.constant 4 : index
    %get3A_34 = arith.constant 2 : index
    %get3A_35 = vector.load %arg3[%get3A_33, %get3A_34] : memref<7x3xf32, #tpu.memory_space<vmem>>, vector<1x1xf32>
    %get3A_36 = vector.extract %get3A_35[0, 0] : f32 from vector<1x1xf32>
    %get3A_37 = arith.constant 4 : index
    %get3A_38 = arith.constant 0 : index
    %get3A_39 = vector.load %arg3[%get3A_37, %get3A_38] : memref<7x3xf32, #tpu.memory_space<vmem>>, vector<1x1xf32>
    %get3A_40 = vector.extract %get3A_39[0, 0] : f32 from vector<1x1xf32>
    %broadcast_in_dim3A_41 = vector.broadcast %get3A_36 : f32 to vector<64x2048xf32>
    %broadcast_in_dim3A_42 = vector.broadcast %get3A_40 : f32 to vector<64x2048xf32>
    %select_n3A_43 = arith.select %eq3A_13, %broadcast_in_dim3A_41, %broadcast_in_dim3A_42 : vector<64x2048xi1>, vector<64x2048xf32>
    %broadcast_in_dim3A_44 = vector.broadcast %get3A_32 : f32 to vector<64x2048xf32>
    %select_n3A_45 = arith.select %eq3A_10, %broadcast_in_dim3A_44, %select_n3A_43 : vector<64x2048xi1>, vector<64x2048xf32>
    %sub3A = arith.subf %mul3A, %select_n3A_45 : vector<64x2048xf32>
    %jit3A = arith.constant 0.000000e+00 : f32
    %jit3A_46 = arith.constant 1.000000e+00 : f32
    %max3A = vector.broadcast %jit3A : f32 to vector<64x2048xf32>
    %max3A_47 = arith.maximumf %max3A, %sub3A : vector<64x2048xf32>
    %min3A = vector.broadcast %jit3A_46 : f32 to vector<64x2048xf32>
    %min3A_48 = arith.minimumf %min3A, %max3A_47 : vector<64x2048xf32>
    %mul3A_49 = arith.mulf %min3A_48, %min3A_48 : vector<64x2048xf32>
    %mul3A_50 = arith.mulf %mul3A_49, %min3A_48 : vector<64x2048xf32>
    %mul3A_51 = arith.constant 6.000000e+00 : f32
    %mul3A_52 = vector.broadcast %mul3A_51 : f32 to vector<64x2048xf32>
    %mul3A_53 = arith.mulf %mul3A_52, %min3A_48 : vector<64x2048xf32>
    %sub3A_54 = arith.constant 1.500000e+01 : f32
    %sub3A_55 = vector.broadcast %sub3A_54 : f32 to vector<64x2048xf32>
    %sub3A_56 = arith.subf %mul3A_53, %sub3A_55 : vector<64x2048xf32>
    %mul3A_57 = arith.mulf %min3A_48, %sub3A_56 : vector<64x2048xf32>
    %add3A = arith.constant 1.000000e+01 : f32
    %add3A_58 = vector.broadcast %add3A : f32 to vector<64x2048xf32>
    %add3A_59 = arith.addf %mul3A_57, %add3A_58 : vector<64x2048xf32>
    %mul3A_60 = arith.mulf %mul3A_50, %add3A_59 : vector<64x2048xf32>
    %sub3A_61 = arith.constant 1.000000e+00 : f32
    %sub3A_62 = vector.broadcast %sub3A_61 : f32 to vector<64x2048xf32>
    %sub3A_63 = arith.subf %sub3A_62, %mul3A_60 : vector<64x2048xf32>
    %get3A_64 = arith.constant 0 : index
    %get3A_65 = arith.constant 1 : index
    %get3A_66 = vector.load %arg3[%get3A_64, %get3A_65] : memref<7x3xf32, #tpu.memory_space<vmem>>, vector<1x1xf32>
    %get3A_67 = vector.extract %get3A_66[0, 0] : f32 from vector<1x1xf32>
    %get3A_68 = arith.constant 0 : index
    %get3A_69 = arith.constant 2 : index
    %get3A_70 = vector.load %arg3[%get3A_68, %get3A_69] : memref<7x3xf32, #tpu.memory_space<vmem>>, vector<1x1xf32>
    %get3A_71 = vector.extract %get3A_70[0, 0] : f32 from vector<1x1xf32>
    %get3A_72 = arith.constant 0 : index
    %get3A_73 = arith.constant 0 : index
    %get3A_74 = vector.load %arg3[%get3A_72, %get3A_73] : memref<7x3xf32, #tpu.memory_space<vmem>>, vector<1x1xf32>
    %get3A_75 = vector.extract %get3A_74[0, 0] : f32 from vector<1x1xf32>
    %broadcast_in_dim3A_76 = vector.broadcast %get3A_71 : f32 to vector<64x2048xf32>
    %broadcast_in_dim3A_77 = vector.broadcast %get3A_75 : f32 to vector<64x2048xf32>
    %select_n3A_78 = arith.select %eq3A_13, %broadcast_in_dim3A_76, %broadcast_in_dim3A_77 : vector<64x2048xi1>, vector<64x2048xf32>
    %broadcast_in_dim3A_79 = vector.broadcast %get3A_67 : f32 to vector<64x2048xf32>
    %select_n3A_80 = arith.select %eq3A_10, %broadcast_in_dim3A_79, %select_n3A_78 : vector<64x2048xi1>, vector<64x2048xf32>
    %get3A_81 = arith.constant 1 : index
    %get3A_82 = arith.constant 1 : index
    %get3A_83 = vector.load %arg3[%get3A_81, %get3A_82] : memref<7x3xf32, #tpu.memory_space<vmem>>, vector<1x1xf32>
    %get3A_84 = vector.extract %get3A_83[0, 0] : f32 from vector<1x1xf32>
    %get3A_85 = arith.constant 1 : index
    %get3A_86 = arith.constant 2 : index
    %get3A_87 = vector.load %arg3[%get3A_85, %get3A_86] : memref<7x3xf32, #tpu.memory_space<vmem>>, vector<1x1xf32>
    %get3A_88 = vector.extract %get3A_87[0, 0] : f32 from vector<1x1xf32>
    %get3A_89 = arith.constant 1 : index
    %get3A_90 = arith.constant 0 : index
    %get3A_91 = vector.load %arg3[%get3A_89, %get3A_90] : memref<7x3xf32, #tpu.memory_space<vmem>>, vector<1x1xf32>
    %get3A_92 = vector.extract %get3A_91[0, 0] : f32 from vector<1x1xf32>
    %broadcast_in_dim3A_93 = vector.broadcast %get3A_88 : f32 to vector<64x2048xf32>
    %broadcast_in_dim3A_94 = vector.broadcast %get3A_92 : f32 to vector<64x2048xf32>
    %select_n3A_95 = arith.select %eq3A_13, %broadcast_in_dim3A_93, %broadcast_in_dim3A_94 : vector<64x2048xi1>, vector<64x2048xf32>
    %broadcast_in_dim3A_96 = vector.broadcast %get3A_84 : f32 to vector<64x2048xf32>
    %select_n3A_97 = arith.select %eq3A_10, %broadcast_in_dim3A_96, %select_n3A_95 : vector<64x2048xi1>, vector<64x2048xf32>
    %mul3A_98 = arith.mulf %select_n3A_97, %get3A_3 : vector<64x2048xf32>
    %sub3A_99 = arith.subf %select_n3A_80, %mul3A_98 : vector<64x2048xf32>
    %exp23A = math.exp2 %sub3A_99 : vector<64x2048xf32>
    %mul3A_100 = arith.mulf %exp23A, %sub3A_63 : vector<64x2048xf32>
    %get3A_101 = arith.constant 2 : index
    %get3A_102 = arith.constant 1 : index
    %get3A_103 = vector.load %arg3[%get3A_101, %get3A_102] : memref<7x3xf32, #tpu.memory_space<vmem>>, vector<1x1xf32>
    %get3A_104 = vector.extract %get3A_103[0, 0] : f32 from vector<1x1xf32>
    %get3A_105 = arith.constant 2 : index
    %get3A_106 = arith.constant 2 : index
    %get3A_107 = vector.load %arg3[%get3A_105, %get3A_106] : memref<7x3xf32, #tpu.memory_space<vmem>>, vector<1x1xf32>
    %get3A_108 = vector.extract %get3A_107[0, 0] : f32 from vector<1x1xf32>
    %get3A_109 = arith.constant 2 : index
    %get3A_110 = arith.constant 0 : index
    %get3A_111 = vector.load %arg3[%get3A_109, %get3A_110] : memref<7x3xf32, #tpu.memory_space<vmem>>, vector<1x1xf32>
    %get3A_112 = vector.extract %get3A_111[0, 0] : f32 from vector<1x1xf32>
    %broadcast_in_dim3A_113 = vector.broadcast %get3A_108 : f32 to vector<64x2048xf32>
    %broadcast_in_dim3A_114 = vector.broadcast %get3A_112 : f32 to vector<64x2048xf32>
    %select_n3A_115 = arith.select %eq3A_13, %broadcast_in_dim3A_113, %broadcast_in_dim3A_114 : vector<64x2048xi1>, vector<64x2048xf32>
    %broadcast_in_dim3A_116 = vector.broadcast %get3A_104 : f32 to vector<64x2048xf32>
    %select_n3A_117 = arith.select %eq3A_10, %broadcast_in_dim3A_116, %select_n3A_115 : vector<64x2048xi1>, vector<64x2048xf32>
    %get3A_118 = arith.constant 3 : index
    %get3A_119 = arith.constant 1 : index
    %get3A_120 = vector.load %arg3[%get3A_118, %get3A_119] : memref<7x3xf32, #tpu.memory_space<vmem>>, vector<1x1xf32>
    %get3A_121 = vector.extract %get3A_120[0, 0] : f32 from vector<1x1xf32>
    %get3A_122 = arith.constant 3 : index
    %get3A_123 = arith.constant 2 : index
    %get3A_124 = vector.load %arg3[%get3A_122, %get3A_123] : memref<7x3xf32, #tpu.memory_space<vmem>>, vector<1x1xf32>
    %get3A_125 = vector.extract %get3A_124[0, 0] : f32 from vector<1x1xf32>
    %get3A_126 = arith.constant 3 : index
    %get3A_127 = arith.constant 0 : index
    %get3A_128 = vector.load %arg3[%get3A_126, %get3A_127] : memref<7x3xf32, #tpu.memory_space<vmem>>, vector<1x1xf32>
    %get3A_129 = vector.extract %get3A_128[0, 0] : f32 from vector<1x1xf32>
    %broadcast_in_dim3A_130 = vector.broadcast %get3A_125 : f32 to vector<64x2048xf32>
    %broadcast_in_dim3A_131 = vector.broadcast %get3A_129 : f32 to vector<64x2048xf32>
    %select_n3A_132 = arith.select %eq3A_13, %broadcast_in_dim3A_130, %broadcast_in_dim3A_131 : vector<64x2048xi1>, vector<64x2048xf32>
    %broadcast_in_dim3A_133 = vector.broadcast %get3A_121 : f32 to vector<64x2048xf32>
    %select_n3A_134 = arith.select %eq3A_10, %broadcast_in_dim3A_133, %select_n3A_132 : vector<64x2048xi1>, vector<64x2048xf32>
    %mul3A_135 = arith.mulf %select_n3A_134, %get3A_3 : vector<64x2048xf32>
    %sub3A_136 = arith.subf %select_n3A_117, %mul3A_135 : vector<64x2048xf32>
    %exp23A_137 = math.exp2 %sub3A_136 : vector<64x2048xf32>
    %mul3A_138 = arith.mulf %exp23A_137, %sub3A_63 : vector<64x2048xf32>
    %reduce_sum3A = vector.shape_cast %mul3A_100 : vector<64x2048xf32> to vector<1x64x2048xf32>
    %reduce_sum3A_139 = arith.constant dense<0.000000e+00> : vector<1xf32>
    %reduce_sum3A_140 = vector.multi_reduction <add>, %reduce_sum3A, %reduce_sum3A_139 [1, 2] : vector<1x64x2048xf32> to vector<1xf32>
    %reduce_sum3A_141 = vector.shape_cast %reduce_sum3A_140 : vector<1xf32> to vector<1x1x1xf32>
    %reduce_sum3A_142 = vector.extract %reduce_sum3A_141[0, 0, 0] : f32 from vector<1x1x1xf32>
    %reduce_sum3A_143 = arith.constant dense<0.000000e+00> : vector<2048xf32>
    %reduce_sum3A_144 = vector.multi_reduction <add>, %mul3A_138, %reduce_sum3A_143 [0] : vector<64x2048xf32> to vector<2048xf32>
    %broadcast_in_dim3A_145 = vector.shape_cast %reduce_sum3A_144 : vector<2048xf32> to vector<1x2048xf32>
    %add3A_146 = arith.constant 9.99999996E-13 : f32
    %add3A_147 = vector.broadcast %add3A_146 : f32 to vector<1x2048xf32>
    %add3A_148 = arith.addf %broadcast_in_dim3A_145, %add3A_147 : vector<1x2048xf32>
    %rsqrt3A = math.rsqrt %add3A_148 : vector<1x2048xf32>
    %mul3A_149 = arith.mulf %add3A_148, %rsqrt3A : vector<1x2048xf32>
    %reduce_sum3A_150 = vector.shape_cast %mul3A_149 : vector<1x2048xf32> to vector<1x1x2048xf32>
    %reduce_sum3A_151 = arith.constant dense<0.000000e+00> : vector<1xf32>
    %reduce_sum3A_152 = vector.multi_reduction <add>, %reduce_sum3A_150, %reduce_sum3A_151 [1, 2] : vector<1x1x2048xf32> to vector<1xf32>
    %reduce_sum3A_153 = vector.shape_cast %reduce_sum3A_152 : vector<1xf32> to vector<1x1x1xf32>
    %reduce_sum3A_154 = vector.extract %reduce_sum3A_153[0, 0, 0] : f32 from vector<1x1x1xf32>
    %sub3A_155 = arith.subf %reduce_sum3A_142, %reduce_sum3A_154 : f32
    %broadcast_in_dim3A_156 = vector.broadcast %sub3A_155 : f32 to vector<1x128xf32>
    %swap3A = arith.constant 0 : index
    %swap3A_157 = arith.constant 0 : index
    %swap3A_158 = arith.constant 0 : index
    %swap3A_159 = vector.load %arg4[%swap3A, %swap3A_157, %swap3A_158] : memref<1x1x128xf32, #tpu.memory_space<vmem>>, vector<1x1x128xf32>
    %swap3A_160 = vector.shape_cast %swap3A_159 : vector<1x1x128xf32> to vector<1x128xf32>
    %swap3A_161 = vector.shape_cast %broadcast_in_dim3A_156 : vector<1x128xf32> to vector<1x1x128xf32>
    tpu.vector_store %arg4[%swap3A, %swap3A_157, %swap3A_158], %swap3A_161 {strides = array<i32>} : memref<1x1x128xf32, #tpu.memory_space<vmem>>, vector<1x1x128xf32>,
    %mul3A_162 = arith.constant 4.8828125E-4 : f32
    %mul3A_163 = arith.mulf %sub3A_155, %mul3A_162 : f32
    %broadcast_in_dim3A_164 = vector.broadcast %mul3A_163 : f32 to vector<1x128xf32>
    %swap3A_165 = arith.constant 0 : index
    %swap3A_166 = arith.constant 0 : index
    %swap3A_167 = arith.constant 0 : index
    %swap3A_168 = vector.load %arg5[%swap3A_165, %swap3A_166, %swap3A_167] : memref<1x1x128xf32, #tpu.memory_space<vmem>>, vector<1x1x128xf32>
    %swap3A_169 = vector.shape_cast %swap3A_168 : vector<1x1x128xf32> to vector<1x128xf32>
    %swap3A_170 = vector.shape_cast %broadcast_in_dim3A_164 : vector<1x128xf32> to vector<1x1x128xf32>
    tpu.vector_store %arg5[%swap3A_165, %swap3A_166, %swap3A_167], %swap3A_170 {strides = array<i32>} : memref<1x1x128xf32, #tpu.memory_space<vmem>>, vector<1x1x128xf32>,
    return
  }
  func.func @transform_0(%arg0: i32) -> (i32, i32, i32) {
    %c0_i32 = arith.constant 0 : i32
    %c0_i32_0 = arith.constant 0 : i32
    %c0_i32_1 = arith.constant 0 : i32
    return %arg0, %c0_i32, %c0_i32_0 : i32, i32, i32
  }
  func.func @transform_1(%arg0: i32) -> (i32, i32, i32) {
    %c0_i32 = arith.constant 0 : i32
    %c0_i32_0 = arith.constant 0 : i32
    %c0_i32_1 = arith.constant 0 : i32
    return %arg0, %c0_i32, %c0_i32_0 : i32, i32, i32
  }
  func.func @transform_2(%arg0: i32) -> (i32, i32) {
    %c0_i32 = arith.constant 0 : i32
    %c0_i32_0 = arith.constant 0 : i32
    %c0_i32_1 = arith.constant 0 : i32
    return %c0_i32, %c0_i32_0 : i32, i32
  }
  func.func @transform_3(%arg0: i32) -> (i32, i32, i32) {
    %c0_i32 = arith.constant 0 : i32
    %c0_i32_0 = arith.constant 0 : i32
    %c0_i32_1 = arith.constant 0 : i32
    return %arg0, %c0_i32, %c0_i32_0 : i32, i32, i32
  }
  func.func @transform_4(%arg0: i32) -> (i32, i32, i32) {
    %c0_i32 = arith.constant 0 : i32
    %c0_i32_0 = arith.constant 0 : i32
    %c0_i32_1 = arith.constant 0 : i32
    return %arg0, %c0_i32, %c0_i32_0 : i32, i32, i32
  }
}

</mosaic_0001>

<sc_bundles>
// kernel: kernel.4.cloned.1.call-start
scs
__scs_entry_jumppad:
0x0: {  	(pc) =	sbr.rel $0x88, $3  }
0x1: {  	(tag) =	ssettag $0x0;
	lr =	simm.s32 $0x1  }
0x2: {  	[smem:$0x3F96] =	sst lr;
	_ =	strace $0xD0000000  }
0x3: {  	_ = 	snop  }
0x4: {  	_ = 	snop  }
0x5: {  	_ = 	snop  }
0x6: {  	_ = 	snop  }
0x7: {  	_ = 	snop  }
__scs_overlays_trampoline_lowered:
0x8: {  	[smem:$0x3FA5] =	sst s0  }
0x9: {  	[smem:$0x3FA6] =	sst s1  }
0xa: {  	[smem:$0x3FA7] =	sst s2  }
0xb: {  	[smem:$0x3FA8] =	sst s3  }
0xc: {  	[smem:$0x3FA9] =	sst s4  }
0xd: {  	[smem:$0x3FAA] =	sst s5  }
0xe: {  	[smem:$0x3FAB] =	sst s6  }
0xf: {  	[smem:$0x3FAC] =	sst s7  }
0x10: {  	[smem:$0x3FAD] =	sst s8  }
0x11: {  	[smem:$0x3FAE] =	sst s9;
	s0 =	simm.s32 @!p0 $0x0  }
0x12: {  	s1 =	sld [smem:$0x3F94];
	s0 =	simm.s32 @p0 $0x1  }
0x13: {  	[smem:$0x3FAF] =	sst s0;
	s0 =	simm.s32 @!p1 $0x0  }
0x14: {  	s2 =	sld [smem:$0x3F93];
	s0 =	simm.s32 @p1 $0x1  }
0x15: {  	[smem:$0x3FB0] =	sst s0;
	s0 =	simm.s32 @!p2 $0x0  }
0x16: {  	s3 =	sld [smem:$0x3FDB];
	s0 =	simm.s32 @p2 $0x1  }
0x17: {  	s4 =	simm.s32 $0x1BF5;
	[smem:$0x3FB2] =	sst s0  }
0x18: {  	s0 =	sld [smem:$0x3F95];
	_ =	swait.ge [sflag:s4], $0x0  }
0x19: {  	s7 =	sld [smem:$0x3F96]  }
0x1a: {  	s8 =	sadd.s32 $0xFFFFE003, lr  }
0x1b: {  	s9 =	sadd.s32 $0xFFFFFEF7, lr;
	s5 =	simm.s32 $0xFFFFFFFF;
	p2 =	slt.u32 s8, $0xFFFFF086  }
0x1c: {  	p1 =	slt.u32 s9, $0xF7A;
	s5 =	simm.s32 @!p2 $0x0  }
0x1d: {  	s5 =	simm.s32 @p1 $0x1;
	p0 =	seq.s32 s7, s2  }
0x1e: {  	s7 =	smul.u32 @!p0 $0xF7A, s2;
	p2 =	seq.s32 @!p0 s5, $0x0  }
0x1f: {  	s9 =	smul.u32 $0xF7A, s1;
	s8 =	simm.s32 @!p0 $0x1BF5;
	p2 =	por !p2, p0  }
0x20: {  	[sflag:s8] =	ssyncset.s32 @!p0 $0xFFFFF086;
	s6 =	sadd.s32 @!p0 s3, s7;
	s7 =	simm.s32 @!p0 $0x108  }
0x21: {  	s3 =	sadd.s32 s3, s9;
	s6 =	sadd.s32 @!p0 $0x88, s6;
	s7 =	simm.s32 @p2 $0x1082  }
0x22: {  	[simem:s7], [sflag:s8] =	dma.local @!p0 [hbm:s6], $0xF7A  }
0x23: {  	s9 =	sor.u32 $0xD0000000, s2;
	s6 =	simm.s32 $0x108;
	_ =	swait.ge @!p0 [sflag:s8], $0x0  }
0x24: {  	s3 =	sadd.s32 $0x88, s3;
	s6 =	simm.s32 @!p1 $0x1082;
	[sflag:s4] =	ssyncset.s32 $0xFFFFF086  }
0x25: {  	[simem:s6], [sflag:s4] =	dma.local [hbm:s3], $0xF7A  }
0x26: {  	[smem:$0x3F96] =	sst s1;
	(tag) =	ssettag s2;
	_ =	strace s9  }
0x27: {  	s1 =	sld [smem:$0x3FA6]  }
0x28: {  	s2 =	sld [smem:$0x3FA7]  }
0x29: {  	s4 =	sld [smem:$0x3FA9]  }
0x2a: {  	p0 =	seq.s32 s5, $0x0;
	s5 =	sld [smem:$0x3FAA]  }
0x2b: {  	s6 =	sld [smem:$0x3FAB]  }
0x2c: {  	s7 =	sld [smem:$0x3FAC]  }
0x2d: {  	s3 =	simm.s32 $0x108;
	s8 =	sld [smem:$0x3FAD]  }
0x2e: {  	s3 =	simm.s32 @!p0 $0x1082;
	s9 =	sld [smem:$0x3FAE]  }
0x2f: {  	lr =	sadd.s32 s0, s3;
	s0 =	sld [smem:$0x3FA5]  }
0x30: {  	s3 =	sld [smem:$0x3FA8]  }
0x31: {  	[smem:$0x3FB1] =	sst s10  }
0x32: {  	s10 =	sld [smem:$0x3FAF];
	_ =	sdelay $0x3  }
0x33: {  	p0 =	seq.s32 s10, $0x1;
	s10 =	sld [smem:$0x3FB1];
	_ =	sdelay $0x3  }
0x34: {  	[smem:$0x3FB1] =	sst s10  }
0x35: {  	s10 =	sld [smem:$0x3FB0];
	_ =	sdelay $0x3  }
0x36: {  	p1 =	seq.s32 s10, $0x1;
	s10 =	sld [smem:$0x3FB1];
	_ =	sdelay $0x3  }
0x37: {  	[smem:$0x3FB1] =	sst s10  }
0x38: {  	s10 =	sld [smem:$0x3FB2]  }
0x39: {  	_ = 	snop;
	(pc) =	sbr.ind lr, $3  }
0x3a: {  	_ = 	snop  }
0x3b: {  	_ = 	snop  }
0x3c: {  	p2 =	seq.s32 s10, $0x1;
	s10 =	sld [smem:$0x3FB1]  }
0x3d: {  	_ =	shalt  }
0x3e: {  	_ =	shalt  }
0x3f: {  	_ =	shalt  }
0x40: {  	_ =	shalt  }
0x41: {  	_ =	shalt  }
0x42: {  	_ =	shalt  }
0x43: {  	_ =	shalt  }
0x44: {  	_ =	shalt  }
0x45: {  	_ =	shalt  }
0x46: {  	_ =	shalt  }
0x47: {  	_ =	shalt  }
0x48: {  	_ =	shalt  }
0x49: {  	_ =	shalt  }
0x4a: {  	_ =	shalt  }
0x4b: {  	_ =	shalt  }
0x4c: {  	_ =	shalt  }
0x4d: {  	_ =	shalt  }
0x4e: {  	_ =	shalt  }
0x4f: {  	_ =	shalt  }
0x50: {  	_ =	shalt  }
0x51: {  	_ =	shalt  }
0x52: {  	_ =	shalt  }
0x53: {  	_ =	shalt  }
0x54: {  	_ =	shalt  }
0x55: {  	_ =	shalt  }
0x56: {  	_ =	shalt  }
0x57: {  	_ =	shalt  }
0x58: {  	_ =	shalt  }
0x59: {  	_ =	shalt  }
0x5a: {  	_ =	shalt  }
0x5b: {  	_ =	shalt  }
0x5c: {  	_ =	shalt  }
0x5d: {  	_ =	shalt  }
0x5e: {  	_ =	shalt  }
0x5f: {  	_ =	shalt  }
0x60: {  	_ =	shalt  }
0x61: {  	_ =	shalt  }
0x62: {  	_ =	shalt  }
0x63: {  	_ =	shalt  }
0x64: {  	_ =	shalt  }
0x65: {  	_ =	shalt  }
0x66: {  	_ =	shalt  }
0x67: {  	_ =	shalt  }
0x68: {  	_ =	shalt  }
0x69: {  	_ =	shalt  }
0x6a: {  	_ =	shalt  }
0x6b: {  	_ =	shalt  }
0x6c: {  	_ =	shalt  }
0x6d: {  	_ =	shalt  }
0x6e: {  	_ =	shalt  }
0x6f: {  	_ =	shalt  }
0x70: {  	_ =	shalt  }
0x71: {  	_ =	shalt  }
0x72: {  	_ =	shalt  }
0x73: {  	_ =	shalt  }
0x74: {  	_ =	shalt  }
0x75: {  	_ =	shalt  }
0x76: {  	_ =	shalt  }
0x77: {  	_ =	shalt  }
0x78: {  	_ =	shalt  }
0x79: {  	_ =	shalt  }
0x7a: {  	_ =	shalt  }
0x7b: {  	_ =	shalt  }
0x7c: {  	_ =	shalt  }
0x7d: {  	_ =	shalt  }
0x7e: {  	_ =	shalt  }
0x7f: {  	_ =	shalt  }
0x80: {  	_ =	shalt  }
0x81: {  	_ =	shalt  }
0x82: {  	_ =	shalt  }
0x83: {  	_ =	shalt  }
0x84: {  	_ =	shalt  }
0x85: {  	_ =	shalt  }
0x86: {  	_ =	shalt  }
0x87: {  	_ =	shalt  }
.Lfunc_end0:
.L_simem_size_0:
called_computation_lowered:
.L_overlay_start_0:
0x88: {  	s2 =	sld [smem:$0x3FD9]  }
0x89: {  	s3 =	sld [smem:$0x3FFE];
	_ =	sdelay $0x1  }
0x8a: {  	s1 =	srdreg.scid  }
0x8b: {  	s0 =	sand.u32 $0x1, s1  }
0x8c: {  	s17 =	sshll.u32 s0, $0xA;
	s2 =	sadd.s32 s3, s2  }
0x8d: {  	s2 =	sadd.s32 s2, s17  }
0x8e: {  	[smem:$0x3FBD] =	sst s2  }
0x8f: {  	_ = 	snop  }
0x90: {  	s2 =	sld [smem:$0x3FC9];
	(tm) =	ssettm $0x1  }
0x91: {  	s18 =	sld [smem:$0x3FFB];
	_ =	sdelay $0x3  }
0x92: {  	_ =	strace s18  }
0x93: {  	s3 =	sld [smem:$0x3FFC];
	_ =	sdelay $0x3  }
0x94: {  	_ =	strace s3  }
0x95: {  	s3 =	sld [smem:$0x3FFD];
	_ =	sdelay $0x3  }
0x96: {  	_ =	strace s3  }
0x97: {  	_ =	strace $0x8FFFFFFF  }
0x98: {  	s19 =	sld [smem:$0x3FDB];
	_ =	sdelay $0x1  }
0x99: {  	s4 =	simm.s32 $_scs_section_size  }
0x9a: {  	s5 =	simm.s32 $_size__tile_overlayer_lowered;
	s6 =	simm.s32 $_tile_overlayer_lowered  }
0x9b: {  	s22 =	simm.s32 $0x1BFF;
	s21 =	sshll.u32 s6, $0x1;
	s3 =	sadd.s32 s4, s19  }
0x9c: {  	s7 =	simm.s32 $0x0;
	s20 =	sshll.u32 s5, $0x1;
	s5 =	sadd.s32 s21, s3  }
0x9d: {  	[timem:s7], [sflag:s22] =	dma.local [hbm:s5], s20  }
0x9e: {  	_ =	swait.ge [sflag:s22], s20  }
0x9f: {  	s4 =	ssub.s32 $0x0, s20;
	[sflag:s22] =	ssyncset.done $0x0  }
0xa0: {  	[sflag:s22] =	ssyncadd.s32 s4;
	_ =	sdelay $0x1  }
0xa1: {  	s23 =	simm.s32 $0x1B8B  }
0xa2: {  	_ =	swait.ge [sflag:s23], $0x1  }
0xa3: {  	[sflag:s23] =	ssyncset.done $0x0  }
0xa4: {  	s25 =	simm.s32 $0x1B8E;
	s24 =	sld [smem:$0x3FFE];
	[sflag:s23] =	ssyncadd.s32 $0xFFFFFFFF  }
0xa5: {  	s26 =	simm.s32 $execute0_lowered;
	[smem:$0x3FD2] =	sst s25  }
0xa6: {  	s5 =	sshll.u32 s26, $0x1;
	_ =	strace $0x80000046;
	[dreg:$0x1] =	wrdreg $0xFFFFFFFF  }
0xa7: {  	s28 =	simm.s32 $_size_execute0_lowered;
	s3 =	sadd.s32 s3, s5;
	[dreg:$0x0] =	wrdreg $0x0  }
0xa8: {  	s5 =	sshll.u32 s28, $0x1;
	[dreg:$0x2] =	wrdreg s3  }
0xa9: {  	[dreg:$0x3] =	wrdreg s5  }
0xaa: {  	[dreg:$0x4] =	wrdreg $0xC0  }
0xab: {  	_ =	task [dreg:s7], $0x5FFFF  }
0xac: {  	[dreg:$0x1] =	wrdreg $0xFFFFFFFF  }
0xad: {  	[dreg:$0x0] =	wrdreg $0x60  }
0xae: {  	[dreg:$0x2] =	wrdreg s2  }
0xaf: {  	[dreg:$0x3] =	wrdreg s24  }
0xb0: {  	[dreg:$0x4] =	wrdreg $0x9  }
0xb1: {  	_ =	task.clear_ibuf [dreg:s7], $0x5FFFF;
	_ =	strace $0x90000046  }
0xb2: {  	s29 =	simm.s32 $0x9;
	_ =	strace $0x80000048  }
0xb3: {  	_ =	swait.ge [sflag:s29], $0x1  }
0xb4: {  	[sflag:s29] =	ssyncadd.s32 $0xFFFFFFFF  }
0xb5: {  	_ =	strace $0x90000048  }
0xb6: {  	_ =	sfence  }
0xb7: {  	s30 =	sld [smem:$0x0];
	_ =	sdelay $0x2  }
0xb8: {  	s31 =	sshll.u32 s1, $0xD;
	s1 =	sshrl.u32 s1, $0x2  }
0xb9: {  	s3 =	sand.u32 $0x4000, s31;
	s1 =	sadd.s32 s1, s30  }
0xba: {  	s0 =	sor.u32 s3, s0;
	s1 =	sshll.u32 s1, $0x11  }
0xbb: {  	s0 =	sor.u32 s1, s0  }
0xbc: {  	s0 =	sadd.s32 $0x8F2B, s0  }
0xbd: {  	[sflag:s0] =	ssyncadd.remote.s32 $0x1  }
0xbe: {  	_ =	sfence.sel $0xFFFF  }
0xbf: {  	[dreg:$0x0] =	wrdreg $0xFFFFFFFF;
	(pc) =	sbr.abs _section_cstart, $3  }
0xc0: {  	[dreg:$0x1] =	wrdreg $0xFFFFFFFF  }
0xc1: {  	_ =	task.clear_ibuf [dreg:s7], $0x2FFFF;
	_ =	strace $0x9FFFFFFF  }
0xc2: {  	(tm) =	ssettm $0x7FFFFFFF  }
0xc3: {  	_ =	shalt  }
tec
execute0_lowered:
.L_overlay_start_1:
0x0: {  	(tag) =	ssettag $0x1  }
0x1: {  	s1 =	stileid.u32  }
0x2: {  	p0 =	sgt.u32 s1, $0x7  }
.Ltmp0:
0x3: {  	_ = 	snop;
	(pc) =	sbr.rel @p0 .LBB2_3-.Ltmp0, $4  }
0x4: {  	s4 =	rddreg [dreg:$0x0]  }
0x5: {  	s3 =	rddreg [dreg:$0x1];
	s2 =	simm.s32 $0x0  }
0x6: {  	[smem:$0x7FF] =	sst s2  }
0x7: {  	s0 =	rddreg [dreg:$0x2];
	_ =	strace $0x80000047  }
0x8: {  	s5 =	srdreg.scid;
	s6 =	sshll.u32 s1, $0x8;
	s7 =	sshrl.u32 s1, $0x2  }
0x9: {  	s9 =	simm.s32 $0x800;
	s5 =	sand.u32 $0x1, s5;
	s6 =	sand.u32 $0x300, s6  }
0xa: {  	s30 =	sshll.u32 s7, $0xA;
	s8 =	sshll.u32 s5, $0x7;
	s5 =	ssub.s32 $0x2, s5  }
0xb: {  	s7 =	sshll.u32 s7, $0xE;
	s6 =	sor.u32 s8, s6;
	s31 =	sshrl.u32 s5, $0x1  }
0xc: {  	s8 =	sor.u32 s30, s6;
	s6 =	sor.u32 s7, s6;
	s5 =	ssub.s32 s5, s31  }
0xd: {  	s7 =	simm.s32 $0x400;
	s8 =	sshrl.u32 s8, $0x3;
	s6 =	sshrl.u32 s6, $0x3  }
0xe: {  	s5 =	smax.u32 s5, $0x1;
	s3 =	sadd.s32 s8, s3;
	s4 =	sadd.s32 s4, s6  }
0xf: {  	s6 =	simm.s32 $0x80;
	s8 =	simm.s32 $0x1;
	s3 =	sadd.s32 $0x400, s3  }
.LBB2_2:
0x10: {  	[tilespmem:s2], [sflag:$0x1] =	stream.strided.gather [hbm4b:s4+s6], $0x800, s7, s6, $0x38;
	[tilespmem:$0x880] =	vst v63  }
0x11: {  	_ =	swait.ge [sflag:s8], $0x800  }
0x12: {  	[sflag:s8] =	ssyncset.done $0x0  }
0x13: {  	[sflag:s8] =	ssyncadd.s32 $0xFFFFF800  }
0x14: {  	v0 =	vld [tilespmem:$0x0]  }
0x15: {  	v1 =	vld [tilespmem:$0x10]  }
0x16: {  	v2 =	vld [tilespmem:$0x20]  }
0x17: {  	v3 =	vld [tilespmem:$0x30]  }
0x18: {  	v4 =	vld [tilespmem:$0x40]  }
0x19: {  	v5 =	vld [tilespmem:$0x50]  }
0x1a: {  	v54 =	vld [tilespmem:$0x60];
	v0 =	vadd.s32 v0, v1  }
0x1b: {  	v55 =	vld [tilespmem:$0x70];
	v0 =	vadd.s32 v2, v0  }
0x1c: {  	v56 =	vld [tilespmem:$0x80];
	v0 =	vadd.s32 v3, v0  }
0x1d: {  	v57 =	vld [tilespmem:$0x90];
	v0 =	vadd.s32 v4, v0  }
0x1e: {  	v58 =	vld [tilespmem:$0xA0];
	v0 =	vadd.s32 v5, v0  }
0x1f: {  	v59 =	vld [tilespmem:$0xB0];
	v0 =	vadd.s32 v54, v0  }
0x20: {  	v60 =	vld [tilespmem:$0xC0];
	v0 =	vadd.s32 v55, v0  }
0x21: {  	v61 =	vld [tilespmem:$0xD0];
	v0 =	vadd.s32 v56, v0  }
0x22: {  	v62 =	vld [tilespmem:$0xE0];
	v0 =	vadd.s32 v57, v0  }
0x23: {  	v63 =	vld [tilespmem:$0xF0];
	v0 =	vadd.s32 v58, v0  }
0x24: {  	v8 =	vld [tilespmem:$0x100];
	v0 =	vadd.s32 v59, v0  }
0x25: {  	v9 =	vld [tilespmem:$0x110];
	v0 =	vadd.s32 v60, v0  }
0x26: {  	v10 =	vld [tilespmem:$0x120];
	v0 =	vadd.s32 v61, v0  }
0x27: {  	v11 =	vld [tilespmem:$0x130];
	v0 =	vadd.s32 v62, v0  }
0x28: {  	v12 =	vld [tilespmem:$0x140];
	v0 =	vadd.s32 v63, v0  }
0x29: {  	v13 =	vld [tilespmem:$0x150];
	v0 =	vadd.s32 v8, v0  }
0x2a: {  	v14 =	vld [tilespmem:$0x160];
	v0 =	vadd.s32 v9, v0  }
0x2b: {  	v15 =	vld [tilespmem:$0x170];
	v0 =	vadd.s32 v10, v0  }
0x2c: {  	v16 =	vld [tilespmem:$0x180];
	v0 =	vadd.s32 v11, v0  }
0x2d: {  	v17 =	vld [tilespmem:$0x190];
	v0 =	vadd.s32 v12, v0  }
0x2e: {  	v18 =	vld [tilespmem:$0x1A0];
	v0 =	vadd.s32 v13, v0  }
0x2f: {  	v19 =	vld [tilespmem:$0x1B0];
	v0 =	vadd.s32 v14, v0  }
0x30: {  	v20 =	vld [tilespmem:$0x1C0];
	v0 =	vadd.s32 v15, v0  }
0x31: {  	v21 =	vld [tilespmem:$0x1D0];
	v0 =	vadd.s32 v16, v0  }
0x32: {  	v22 =	vld [tilespmem:$0x1E0];
	v0 =	vadd.s32 v17, v0  }
0x33: {  	v23 =	vld [tilespmem:$0x1F0];
	v0 =	vadd.s32 v18, v0  }
0x34: {  	v24 =	vld [tilespmem:$0x200];
	v0 =	vadd.s32 v19, v0  }
0x35: {  	v25 =	vld [tilespmem:$0x210];
	v0 =	vadd.s32 v20, v0  }
0x36: {  	v26 =	vld [tilespmem:$0x220];
	v0 =	vadd.s32 v21, v0  }
0x37: {  	v27 =	vld [tilespmem:$0x230];
	v0 =	vadd.s32 v22, v0  }
0x38: {  	v28 =	vld [tilespmem:$0x240];
	v0 =	vadd.s32 v23, v0  }
0x39: {  	v29 =	vld [tilespmem:$0x250];
	v0 =	vadd.s32 v24, v0  }
0x3a: {  	v30 =	vld [tilespmem:$0x260];
	v0 =	vadd.s32 v25, v0  }
0x3b: {  	v31 =	vld [tilespmem:$0x270];
	v0 =	vadd.s32 v26, v0  }
0x3c: {  	v32 =	vld [tilespmem:$0x280];
	v0 =	vadd.s32 v27, v0  }
0x3d: {  	v33 =	vld [tilespmem:$0x290];
	v0 =	vadd.s32 v28, v0  }
0x3e: {  	v34 =	vld [tilespmem:$0x2A0];
	v0 =	vadd.s32 v29, v0  }
0x3f: {  	v35 =	vld [tilespmem:$0x2B0];
	v0 =	vadd.s32 v30, v0  }
0x40: {  	v36 =	vld [tilespmem:$0x2C0];
	v0 =	vadd.s32 v31, v0  }
0x41: {  	v37 =	vld [tilespmem:$0x2D0];
	v0 =	vadd.s32 v32, v0  }
0x42: {  	v38 =	vld [tilespmem:$0x2E0];
	v0 =	vadd.s32 v33, v0  }
0x43: {  	v39 =	vld [tilespmem:$0x2F0];
	v0 =	vadd.s32 v34, v0  }
0x44: {  	v40 =	vld [tilespmem:$0x300];
	v0 =	vadd.s32 v35, v0  }
0x45: {  	v41 =	vld [tilespmem:$0x310];
	v0 =	vadd.s32 v36, v0  }
0x46: {  	v42 =	vld [tilespmem:$0x320];
	v0 =	vadd.s32 v37, v0  }
0x47: {  	v43 =	vld [tilespmem:$0x330];
	v0 =	vadd.s32 v38, v0  }
0x48: {  	v44 =	vld [tilespmem:$0x340];
	v0 =	vadd.s32 v39, v0  }
0x49: {  	v45 =	vld [tilespmem:$0x350];
	v0 =	vadd.s32 v40, v0  }
0x4a: {  	v46 =	vld [tilespmem:$0x360];
	v0 =	vadd.s32 v41, v0  }
0x4b: {  	v47 =	vld [tilespmem:$0x370];
	v0 =	vadd.s32 v42, v0  }
0x4c: {  	v48 =	vld [tilespmem:$0x380];
	v0 =	vadd.s32 v43, v0  }
0x4d: {  	v49 =	vld [tilespmem:$0x390];
	v0 =	vadd.s32 v44, v0  }
0x4e: {  	v50 =	vld [tilespmem:$0x3A0];
	v0 =	vadd.s32 v45, v0  }
0x4f: {  	v51 =	vld [tilespmem:$0x3B0];
	v0 =	vadd.s32 v46, v0  }
0x50: {  	v52 =	vld [tilespmem:$0x3C0];
	v0 =	vadd.s32 v47, v0  }
0x51: {  	v53 =	vld [tilespmem:$0x3D0];
	v0 =	vadd.s32 v48, v0  }
0x52: {  	v54 =	vld [tilespmem:$0x3E0];
	v0 =	vadd.s32 v49, v0  }
0x53: {  	v55 =	vld [tilespmem:$0x3F0];
	v0 =	vadd.s32 v50, v0  }
0x54: {  	v56 =	vld [tilespmem:$0x400];
	v0 =	vadd.s32 v51, v0  }
0x55: {  	v57 =	vld [tilespmem:$0x410];
	v0 =	vadd.s32 v52, v0  }
0x56: {  	v58 =	vld [tilespmem:$0x420];
	v0 =	vadd.s32 v53, v0  }
0x57: {  	v59 =	vld [tilespmem:$0x430];
	v0 =	vadd.s32 v54, v0  }
0x58: {  	v60 =	vld [tilespmem:$0x440];
	v0 =	vadd.s32 v55, v0  }
0x59: {  	v61 =	vld [tilespmem:$0x450];
	v0 =	vadd.s32 v56, v0  }
0x5a: {  	v62 =	vld [tilespmem:$0x460];
	v0 =	vadd.s32 v57, v0  }
0x5b: {  	v63 =	vld [tilespmem:$0x470];
	v0 =	vadd.s32 v58, v0  }
0x5c: {  	v8 =	vld [tilespmem:$0x480];
	v0 =	vadd.s32 v59, v0  }
0x5d: {  	v9 =	vld [tilespmem:$0x490];
	v0 =	vadd.s32 v60, v0  }
0x5e: {  	v10 =	vld [tilespmem:$0x4A0];
	v0 =	vadd.s32 v61, v0  }
0x5f: {  	v11 =	vld [tilespmem:$0x4B0];
	v0 =	vadd.s32 v62, v0  }
0x60: {  	v12 =	vld [tilespmem:$0x4C0];
	v0 =	vadd.s32 v63, v0  }
0x61: {  	v13 =	vld [tilespmem:$0x4D0];
	v0 =	vadd.s32 v8, v0  }
0x62: {  	v14 =	vld [tilespmem:$0x4E0];
	v0 =	vadd.s32 v9, v0  }
0x63: {  	v15 =	vld [tilespmem:$0x4F0];
	v0 =	vadd.s32 v10, v0  }
0x64: {  	v16 =	vld [tilespmem:$0x500];
	v0 =	vadd.s32 v11, v0  }
0x65: {  	v17 =	vld [tilespmem:$0x510];
	v0 =	vadd.s32 v12, v0  }
0x66: {  	v18 =	vld [tilespmem:$0x520];
	v0 =	vadd.s32 v13, v0  }
0x67: {  	v19 =	vld [tilespmem:$0x530];
	v0 =	vadd.s32 v14, v0  }
0x68: {  	v20 =	vld [tilespmem:$0x540];
	v0 =	vadd.s32 v15, v0  }
0x69: {  	v21 =	vld [tilespmem:$0x550];
	v0 =	vadd.s32 v16, v0  }
0x6a: {  	v22 =	vld [tilespmem:$0x560];
	v0 =	vadd.s32 v17, v0  }
0x6b: {  	v23 =	vld [tilespmem:$0x570];
	v0 =	vadd.s32 v18, v0  }
0x6c: {  	v24 =	vld [tilespmem:$0x580];
	v0 =	vadd.s32 v19, v0  }
0x6d: {  	v25 =	vld [tilespmem:$0x590];
	v0 =	vadd.s32 v20, v0  }
0x6e: {  	v26 =	vld [tilespmem:$0x5A0];
	v0 =	vadd.s32 v21, v0  }
0x6f: {  	v27 =	vld [tilespmem:$0x5B0];
	v0 =	vadd.s32 v22, v0  }
0x70: {  	v28 =	vld [tilespmem:$0x5C0];
	v0 =	vadd.s32 v23, v0  }
0x71: {  	v29 =	vld [tilespmem:$0x5D0];
	v0 =	vadd.s32 v24, v0  }
0x72: {  	v30 =	vld [tilespmem:$0x5E0];
	v0 =	vadd.s32 v25, v0  }
0x73: {  	v31 =	vld [tilespmem:$0x5F0];
	v0 =	vadd.s32 v26, v0  }
0x74: {  	v32 =	vld [tilespmem:$0x600];
	v0 =	vadd.s32 v27, v0  }
0x75: {  	v33 =	vld [tilespmem:$0x610];
	v0 =	vadd.s32 v28, v0  }
0x76: {  	v34 =	vld [tilespmem:$0x620];
	v0 =	vadd.s32 v29, v0  }
0x77: {  	v35 =	vld [tilespmem:$0x630];
	v0 =	vadd.s32 v30, v0  }
0x78: {  	v36 =	vld [tilespmem:$0x640];
	v0 =	vadd.s32 v31, v0  }
0x79: {  	v37 =	vld [tilespmem:$0x650];
	v0 =	vadd.s32 v32, v0  }
0x7a: {  	v38 =	vld [tilespmem:$0x660];
	v0 =	vadd.s32 v33, v0  }
0x7b: {  	v39 =	vld [tilespmem:$0x670];
	v0 =	vadd.s32 v34, v0  }
0x7c: {  	v40 =	vld [tilespmem:$0x680];
	v0 =	vadd.s32 v35, v0  }
0x7d: {  	v41 =	vld [tilespmem:$0x690];
	v0 =	vadd.s32 v36, v0  }
0x7e: {  	v42 =	vld [tilespmem:$0x6A0];
	v0 =	vadd.s32 v37, v0  }
0x7f: {  	v43 =	vld [tilespmem:$0x6B0];
	v0 =	vadd.s32 v38, v0  }
0x80: {  	v44 =	vld [tilespmem:$0x6C0];
	v0 =	vadd.s32 v39, v0  }
0x81: {  	v45 =	vld [tilespmem:$0x6D0];
	v0 =	vadd.s32 v40, v0  }
0x82: {  	v46 =	vld [tilespmem:$0x6E0];
	v0 =	vadd.s32 v41, v0  }
0x83: {  	v47 =	vld [tilespmem:$0x6F0];
	v0 =	vadd.s32 v42, v0  }
0x84: {  	v48 =	vld [tilespmem:$0x700];
	v0 =	vadd.s32 v43, v0  }
0x85: {  	v49 =	vld [tilespmem:$0x710];
	v0 =	vadd.s32 v44, v0  }
0x86: {  	v50 =	vld [tilespmem:$0x720];
	v0 =	vadd.s32 v45, v0  }
0x87: {  	v51 =	vld [tilespmem:$0x730];
	v0 =	vadd.s32 v46, v0  }
0x88: {  	v52 =	vld [tilespmem:$0x740];
	v0 =	vadd.s32 v47, v0  }
0x89: {  	v53 =	vld [tilespmem:$0x750];
	v0 =	vadd.s32 v48, v0  }
0x8a: {  	v54 =	vld [tilespmem:$0x760];
	v0 =	vadd.s32 v49, v0  }
0x8b: {  	v55 =	vld [tilespmem:$0x770];
	v0 =	vadd.s32 v50, v0  }
0x8c: {  	v56 =	vld [tilespmem:$0x780];
	v0 =	vadd.s32 v51, v0  }
0x8d: {  	v57 =	vld [tilespmem:$0x790];
	v0 =	vadd.s32 v52, v0  }
0x8e: {  	v58 =	vld [tilespmem:$0x7A0];
	v0 =	vadd.s32 v53, v0  }
0x8f: {  	v59 =	vld [tilespmem:$0x7B0];
	v0 =	vadd.s32 v54, v0  }
0x90: {  	v60 =	vld [tilespmem:$0x7C0];
	v0 =	vadd.s32 v55, v0  }
0x91: {  	v61 =	vld [tilespmem:$0x7D0];
	v0 =	vadd.s32 v56, v0  }
0x92: {  	v62 =	vld [tilespmem:$0x7E0];
	v0 =	vadd.s32 v57, v0  }
0x93: {  	v63 =	vld [tilespmem:$0x7F0];
	v0 =	vadd.s32 v58, v0  }
0x94: {  	v0 =	vadd.s32 v59, v0  }
0x95: {  	v0 =	vadd.s32 v60, v0  }
0x96: {  	v0 =	vadd.s32 v61, v0  }
0x97: {  	v0 =	vadd.s32 v62, v0  }
0x98: {  	p0 =	sne.s32 s5, $0x1;
	v0 =	vadd.s32 v63, v0  }
.Ltmp1:
0x99: {  	[tilespmem:$0x800] =	vst v0;
	(pc) =	sbr.rel @p0 .LBB2_2-.Ltmp1, $4  }
0x9a: {  	[hbm4b:s3+s2] =	stream.linear.scatter [tilespmem:s9], [sflag:$0x1], $0x80, $0x38;
	[tilespmem:$0x880] =	vst v63  }
0x9b: {  	_ =	swait.ge [sflag:s8], $0x80  }
0x9c: {  	[sflag:s8] =	ssyncset.done $0x0  }
0x9d: {  	s5 =	sadd.s32 $0xFFFFFFFF, s5;
	[sflag:s8] =	ssyncadd.s32 $0xFFFFFF80  }
.LBB2_3:
0x9e: {  	_ =	sfence.sel $0x180000  }
0x9f: {  	[bflag:$0x0] =	sbarrier.arrive $0xFFFF  }
0xa0: {  	p0 =	sne.s32 s1, $0x0;
	_ =	strace $0x90000047  }
0xa1: {  	s0 =	sadd.s32 @!p0 $0x100000, s0;
	[bflag:$0x2] =	sbarrier.arrive $0xFFFF  }
0xa2: {  	[sflag:s0] =	ssyncadd.tile.s32 @!p0 $0x1;
	_ =	shalt  }
.Lfunc_end2:
_tile_overlayer_lowered:
.L_overlay_start_2:
0xa3: {  	(tag) =	ssettag $0x2  }
0xa4: {  	s0 =	rddreg [dreg:$0x0];
	s2 =	stileid.u32  }
0xa5: {  	s1 =	rddreg [dreg:$0x1];
	p0 =	sne.s32 s2, $0x0  }
0xa6: {  	s3 =	rddreg [dreg:$0x2];
	[bflag:$0x3] =	sbarrier.arrive $0xFFFF;
	s2 =	simm.s32 @!p0 $0x1C01  }
0xa7: {  	[timem:s3], [sflag:s2] =	dma.local @!p0 [hbm:s0], s1  }
0xa8: {  	s0 =	simm.s32 @!p0 $0x1  }
0xa9: {  	_ =	swait.ge @!p0 [sflag:s0], s1  }
0xaa: {  	s1 =	ssub.s32 @!p0 $0x0, s1;
	[sflag:s0] =	ssyncset.done @!p0 $0x0  }
0xab: {  	[sflag:s0] =	ssyncadd.s32 @!p0 s1  }
0xac: {  	[bflag:$0x3] =	sbarrier.arrive $0xFFFF  }
0xad: {  	_ =	shalt  }

</sc_bundles>
